<compile_context>
chip_gen: v7x
topology: tpu7x:2x2x1
jax: 0.10.2.dev20260603
libtpu: 0.0.44.dev20260713+nightly
codegen_flags: <defaults>
</compile_context>

<pallas_src>
import functools

import jax
import jax.numpy as jnp
import numpy as np
from jax import lax
from jax.experimental import pallas as pl
from jax.experimental.pallas import tpu as pltpu
from jax.experimental.pallas import tpu_sc as plsc

_B, _K, _L = 16, 100, 200
_TIME = 128
_FEAT = 16
_C = _TIME + _FEAT
_NW = 32
_PLANES = _B * _C

_ROW_OFFS = tuple(range(0, 192, 16)) + (184,)

_S3, _S5, _S7, _S9, _S11 = (
    -1.0 / 6.0,
    1.0 / 120.0,
    -1.0 / 5040.0,
    1.0 / 362880.0,
    -1.0 / 39916800.0,
)


def _sin(x):
    x2 = x * x
    p = _S9 + x2 * _S11
    p = _S7 + x2 * p
    p = _S5 + x2 * p
    p = _S3 + x2 * p
    return x + x * x2 * p


def _sc_body(tp_hbm, et_hbm, d2_hbm, off_hbm, out_hbm, tp_v, et_v, d2_v, off_v, plane_v):
    wid = lax.axis_index("s") * 2 + lax.axis_index("c")
    pltpu.sync_copy(tp_hbm, tp_v)
    pltpu.sync_copy(et_hbm, et_v)
    pltpu.sync_copy(d2_hbm, d2_v)
    pltpu.sync_copy(off_hbm, off_v)

    def do_plane(i, carry):
        p = i * _NW + wid
        b = p // _C
        c = p % _C

        def build_time():
            ci = jnp.full((16,), c, jnp.int32)
            d2 = plsc.load_gather(d2_v, [ci])
            ph = plsc.load_gather(off_v, [ci])
            vecs = []
            for off in _ROW_OFFS:
                x = tp_v[pl.ds(b * _L + off, 16)] * d2 + ph
                vecs.append(_sin(x))

            def fill_row(k, _):
                for off, v in zip(_ROW_OFFS, vecs):
                    plane_v[k, pl.ds(off, 16)] = v
                return 0

            lax.fori_loop(0, _K, fill_row, 0)

        def build_feat():
            f = c - _TIME

            def fill_row(k, _):
                v = plsc.load_gather(
                    et_v, [jnp.full((16,), k * _FEAT + f, jnp.int32)]
                )
                for off in _ROW_OFFS:
                    plane_v[k, pl.ds(off, 16)] = v
                return 0

            lax.fori_loop(0, _K, fill_row, 0)

        lax.cond(c < _TIME, build_time, build_feat)
        pltpu.sync_copy(plane_v, out_hbm.at[b, c])
        return carry

    lax.fori_loop(0, _PLANES // _NW, do_plane, 0)


def kernel(observed_tp, observed_mask, embed_table):
    del observed_mask
    half = jnp.power(
        10000.0, -jnp.arange(0, _TIME, 2, dtype=jnp.float32) / _TIME
    )
    div2 = jnp.repeat(half, 2)
    off = jnp.tile(jnp.array([0.0, np.pi / 2], jnp.float32), _TIME // 2)

    mesh = plsc.VectorSubcoreMesh(core_axis_name="c", subcore_axis_name="s")
    run = pl.kernel(
        _sc_body,
        out_type=jax.ShapeDtypeStruct((_B, _C, _K, _L), jnp.float32),
        mesh=mesh,
        compiler_params=pltpu.CompilerParams(needs_layout_passes=False),
        scratch_types=[
            pltpu.VMEM((_B * _L,), jnp.float32),
            pltpu.VMEM((_K * _FEAT,), jnp.float32),
            pltpu.VMEM((_TIME,), jnp.float32),
            pltpu.VMEM((_TIME,), jnp.float32),
            pltpu.VMEM((_K, _L), jnp.float32),
        ],
    )
    return run(
        observed_tp.reshape(-1),
        embed_table.reshape(-1),
        div2,
        off,
    )

# --- scband reference (transcript-rebuilt; emitter-appended) ---
"""Pipeline reference for scband-shared-embedding-60722247631474 (READ-ONLY COPY).

The authoritative reference and input builder live on the scoring server;
editing this copy changes nothing except your own understanding.
"""

import jax, jax.numpy as jnp
import numpy as np

B, K, L = 16, 100, 200
FEAT = 16
TIME = 128
TARGET = 100

def setup_inputs(seed: int = 0) -> dict:
    key = jax.random.key(seed)
    k1, k2 = jax.random.split(key)
    observed_tp = jax.random.uniform(k1, (B, L), dtype=jnp.float32)
    observed_mask = jnp.ones((B, K, L), dtype=jnp.float32)
    embed_table = jax.random.normal(k2, (TARGET, FEAT), dtype=jnp.float32) * 0.02
    return {"observed_tp": observed_tp, "observed_mask": observed_mask, "embed_table": embed_table}

def _time_embedding(pos, d_model):
    # pos: [B, L] float
    position = pos[:, :, None]
    div_term = 1.0 / jnp.power(10000.0, jnp.arange(0, d_model, 2, dtype=jnp.float32) / d_model)
    s = jnp.sin(position * div_term)  # [B, L, d_model//2]
    c = jnp.cos(position * div_term)  # [B, L, d_model//2]
    # interleave so even indices are sin, odd are cos (matches pe[:,:,0::2]=sin, pe[:,:,1::2]=cos)
    pe = jnp.stack([s, c], axis=-1).reshape(pos.shape[0], pos.shape[1], d_model)
    return pe

def reference(observed_tp, observed_mask, embed_table):
    Bc, Kc, Lc = observed_mask.shape
    time_embed = _time_embedding(observed_tp, TIME)  # [B, L, TIME]
    time_embed = jnp.broadcast_to(time_embed[:, :, None, :], (Bc, Lc, Kc, TIME))
    # feature embedding lookup over all feature ids (gather)
    feature_embed = jnp.take(embed_table, jnp.arange(TARGET), axis=0)  # [TARGET, FEAT]
    feature_embed = jnp.broadcast_to(feature_embed[None, None, :, :], (Bc, Lc, TARGET, FEAT))
    shared_side_info = jnp.concatenate([time_embed, feature_embed], axis=-1)  # [B, L, K, TIME+FEAT]
    shared_side_info = jnp.transpose(shared_side_info, (0, 3, 2, 1))  # [B, TIME+FEAT, K, L]
    return shared_side_info

if __name__ == "__main__":
    import jax
    _d = setup_inputs()
    print(jax.jit(kernel)(*tuple(_d.values())))

</pallas_src>

<mosaic_0001>
#map = affine_map<(d0, d1) -> (0)>
#map1 = affine_map<(d0, d1) -> (0, 0, 0, 0)>
module attributes {stable_mosaic.version = 14 : i64} {
  func.func @_sc_body(%arg0: i32, %arg1: i32, %arg2: memref<3200xf32, #tpu.memory_space<hbm>>, %arg3: memref<1600xf32, #tpu.memory_space<hbm>>, %arg4: memref<128xf32, #tpu.memory_space<hbm>>, %arg5: memref<128xf32, #tpu.memory_space<hbm>>, %arg6: memref<16x144x100x200xf32, #tpu.memory_space<hbm>>, %arg7: memref<3200xf32, #tpu.memory_space<vmem>>, %arg8: memref<1600xf32, #tpu.memory_space<vmem>>, %arg9: memref<128xf32, #tpu.memory_space<vmem>>, %arg10: memref<128xf32, #tpu.memory_space<vmem>>, %arg11: memref<100x200xf32, #tpu.memory_space<vmem>>) attributes {dimension_semantics = [#tpu.dimension_semantics<core_parallel>, #tpu.dimension_semantics<subcore_parallel>], iteration_bounds = array<i64: 2, 16>, scalar_prefetch = 0 : i64, scratch_operands = 5 : i64, tpu.core_type = #tpu.core_type<sc_vector_subcore>, window_params = [{transform_indices = #map}, {transform_indices = #map}, {transform_indices = #map}, {transform_indices = #map}, {transform_indices = #map1}]} {
    %mul3A = arith.constant 2 : i32
    %mul3A_0 = arith.muli %arg1, %mul3A : i32
    %add3A = arith.addi %mul3A_0, %arg0 : i32
    "tpu.region"() ({
      %run_scoped3A = tpu.sem_alloc : memref<!tpu.dma_semaphore, #tpu.memory_space<semaphore_mem>>
      tpu.enqueue_dma source(%arg2 : memref<3200xf32, #tpu.memory_space<hbm>>) target(%arg7 : memref<3200xf32, #tpu.memory_space<vmem>>) target_semaphore(%run_scoped3A : memref<!tpu.dma_semaphore, #tpu.memory_space<semaphore_mem>>)
      tpu.wait_dma2 semaphore(%run_scoped3A : memref<!tpu.dma_semaphore, #tpu.memory_space<semaphore_mem>>) src(%arg2 : memref<3200xf32, #tpu.memory_space<hbm>>) dst(%arg7 : memref<3200xf32, #tpu.memory_space<vmem>>)
      tpu.yield
    }) : () -> ()
    "tpu.region"() ({
      %run_scoped3A = tpu.sem_alloc : memref<!tpu.dma_semaphore, #tpu.memory_space<semaphore_mem>>
      tpu.enqueue_dma source(%arg3 : memref<1600xf32, #tpu.memory_space<hbm>>) target(%arg8 : memref<1600xf32, #tpu.memory_space<vmem>>) target_semaphore(%run_scoped3A : memref<!tpu.dma_semaphore, #tpu.memory_space<semaphore_mem>>)
      tpu.wait_dma2 semaphore(%run_scoped3A : memref<!tpu.dma_semaphore, #tpu.memory_space<semaphore_mem>>) src(%arg3 : memref<1600xf32, #tpu.memory_space<hbm>>) dst(%arg8 : memref<1600xf32, #tpu.memory_space<vmem>>)
      tpu.yield
    }) : () -> ()
    "tpu.region"() ({
      %run_scoped3A = tpu.sem_alloc : memref<!tpu.dma_semaphore, #tpu.memory_space<semaphore_mem>>
      tpu.enqueue_dma source(%arg4 : memref<128xf32, #tpu.memory_space<hbm>>) target(%arg9 : memref<128xf32, #tpu.memory_space<vmem>>) target_semaphore(%run_scoped3A : memref<!tpu.dma_semaphore, #tpu.memory_space<semaphore_mem>>)
      tpu.wait_dma2 semaphore(%run_scoped3A : memref<!tpu.dma_semaphore, #tpu.memory_space<semaphore_mem>>) src(%arg4 : memref<128xf32, #tpu.memory_space<hbm>>) dst(%arg9 : memref<128xf32, #tpu.memory_space<vmem>>)
      tpu.yield
    }) : () -> ()
    "tpu.region"() ({
      %run_scoped3A = tpu.sem_alloc : memref<!tpu.dma_semaphore, #tpu.memory_space<semaphore_mem>>
      tpu.enqueue_dma source(%arg5 : memref<128xf32, #tpu.memory_space<hbm>>) target(%arg10 : memref<128xf32, #tpu.memory_space<vmem>>) target_semaphore(%run_scoped3A : memref<!tpu.dma_semaphore, #tpu.memory_space<semaphore_mem>>)
      tpu.wait_dma2 semaphore(%run_scoped3A : memref<!tpu.dma_semaphore, #tpu.memory_space<semaphore_mem>>) src(%arg5 : memref<128xf32, #tpu.memory_space<hbm>>) dst(%arg10 : memref<128xf32, #tpu.memory_space<vmem>>)
      tpu.yield
    }) : () -> ()
    %scan3A = arith.constant 0 : i32
    %scan3A_1 = arith.constant 0 : i32
    %scan3A_2 = arith.constant 72 : i32
    %scan3A_3 = arith.addi %scan3A_1, %scan3A_2 : i32
    %scan3A_4 = arith.constant 1 : i32
    scf.for %scan3A_6 = %scan3A_1 to %scan3A_3 step %scan3A_4  : i32 {
      %mul3A_7 = arith.constant 32 : i32
      %mul3A_8 = arith.muli %scan3A_6, %mul3A_7 : i32
      %add3A_9 = arith.addi %mul3A_8, %add3A : i32
      %jit3A = arith.constant 144 : i32
      %div3A = arith.divsi %add3A_9, %jit3A : i32
      %sign3A = arith.constant 0 : i32
      %sign3A_10 = arith.cmpi sgt, %add3A_9, %sign3A : i32
      %sign3A_11 = arith.extui %sign3A_10 : i1 to i32
      %sign3A_12 = arith.constant 0 : i32
      %sign3A_13 = arith.cmpi slt, %add3A_9, %sign3A_12 : i32
      %sign3A_14 = arith.extui %sign3A_13 : i1 to i32
      %sign3A_15 = arith.subi %sign3A_11, %sign3A_14 : i32
      %sign3A_16 = arith.constant 0 : i32
      %sign3A_17 = arith.cmpi sgt, %jit3A, %sign3A_16 : i32
      %sign3A_18 = arith.extui %sign3A_17 : i1 to i32
      %sign3A_19 = arith.constant 0 : i32
      %sign3A_20 = arith.cmpi slt, %jit3A, %sign3A_19 : i32
      %sign3A_21 = arith.extui %sign3A_20 : i1 to i32
      %sign3A_22 = arith.subi %sign3A_18, %sign3A_21 : i32
      %ne3A = arith.cmpi ne, %sign3A_15, %sign3A_22 : i32
      %rem3A = arith.remsi %add3A_9, %jit3A : i32
      %ne3A_23 = arith.constant 0 : i32
      %ne3A_24 = arith.cmpi ne, %rem3A, %ne3A_23 : i32
      %and3A = arith.andi %ne3A, %ne3A_24 : i1
      %sub3A = arith.constant 1 : i32
      %sub3A_25 = arith.subi %div3A, %sub3A : i32
      %select_n3A = arith.select %and3A, %sub3A_25, %div3A : i32
      %jit3A_26 = arith.constant 144 : i32
      %eq3A = arith.constant 0 : i32
      %eq3A_27 = arith.cmpi eq, %jit3A_26, %eq3A : i32
      %jit3A_28 = arith.constant 1 : i32
      %select_n3A_29 = arith.select %eq3A_27, %jit3A_28, %jit3A_26 : i32
      %rem3A_30 = arith.remsi %add3A_9, %select_n3A_29 : i32
      %ne3A_31 = arith.constant 0 : i32
      %ne3A_32 = arith.cmpi ne, %rem3A_30, %ne3A_31 : i32
      %lt3A = arith.constant 0 : i32
      %lt3A_33 = arith.cmpi slt, %rem3A_30, %lt3A : i32
      %lt3A_34 = arith.constant 0 : i32
      %lt3A_35 = arith.cmpi slt, %select_n3A_29, %lt3A_34 : i32
      %ne3A_36 = arith.xori %lt3A_33, %lt3A_35 : i1
      %and3A_37 = arith.andi %ne3A_36, %ne3A_32 : i1
      %add3A_38 = arith.addi %rem3A_30, %select_n3A_29 : i32
      %select_n3A_39 = arith.select %and3A_37, %add3A_38, %rem3A_30 : i32
      %lt3A_40 = arith.constant 128 : i32
      %lt3A_41 = arith.cmpi slt, %select_n3A_39, %lt3A_40 : i32
      %convert_element_type3A = arith.extui %lt3A_41 : i1 to i32
      %cond3A = arith.constant 0 : i32
      %cond3A_42 = arith.cmpi ne, %convert_element_type3A, %cond3A : i32
      scf.if %cond3A_42 {
        %broadcast_in_dim3A = vector.broadcast %select_n3A_39 : i32 to vector<16xi32>
        %gather3A = tpu.vector_load_idx %arg9[%broadcast_in_dim3A] : memref<128xf32, #tpu.memory_space<vmem>>[vector<16xi32>], vector<16xf32>,
        %gather3A_43 = tpu.vector_load_idx %arg10[%broadcast_in_dim3A] : memref<128xf32, #tpu.memory_space<vmem>>[vector<16xi32>], vector<16xf32>,
        %mul3A_44 = arith.constant 200 : i32
        %mul3A_45 = arith.muli %select_n3A, %mul3A_44 : i32
        %add3A_46 = arith.constant 0 : i32
        %add3A_47 = arith.addi %mul3A_45, %add3A_46 : i32
        %get3A = arith.index_cast %add3A_47 : i32 to index
        %get3A_48 = tpu.vector_load %arg7[%get3A] {strides = array<i32>} : memref<3200xf32, #tpu.memory_space<vmem>>, vector<16xf32>,
        %mul3A_49 = arith.mulf %get3A_48, %gather3A : vector<16xf32>
        %add3A_50 = arith.addf %mul3A_49, %gather3A_43 : vector<16xf32>
        %mul3A_51 = arith.mulf %add3A_50, %add3A_50 : vector<16xf32>
        %mul3A_52 = arith.constant -2.50521079E-8 : f32
        %mul3A_53 = vector.broadcast %mul3A_52 : f32 to vector<16xf32>
        %mul3A_54 = arith.mulf %mul3A_51, %mul3A_53 : vector<16xf32>
        %add3A_55 = arith.constant 2.75573188E-6 : f32
        %add3A_56 = vector.broadcast %add3A_55 : f32 to vector<16xf32>
        %add3A_57 = arith.addf %add3A_56, %mul3A_54 : vector<16xf32>
        %mul3A_58 = arith.mulf %mul3A_51, %add3A_57 : vector<16xf32>
        %add3A_59 = arith.constant -1.98412701E-4 : f32
        %add3A_60 = vector.broadcast %add3A_59 : f32 to vector<16xf32>
        %add3A_61 = arith.addf %add3A_60, %mul3A_58 : vector<16xf32>
        %mul3A_62 = arith.mulf %mul3A_51, %add3A_61 : vector<16xf32>
        %add3A_63 = arith.constant 0.00833333377 : f32
        %add3A_64 = vector.broadcast %add3A_63 : f32 to vector<16xf32>
        %add3A_65 = arith.addf %add3A_64, %mul3A_62 : vector<16xf32>
        %mul3A_66 = arith.mulf %mul3A_51, %add3A_65 : vector<16xf32>
        %add3A_67 = arith.constant -0.166666672 : f32
        %add3A_68 = vector.broadcast %add3A_67 : f32 to vector<16xf32>
        %add3A_69 = arith.addf %add3A_68, %mul3A_66 : vector<16xf32>
        %mul3A_70 = arith.mulf %add3A_50, %mul3A_51 : vector<16xf32>
        %mul3A_71 = arith.mulf %mul3A_70, %add3A_69 : vector<16xf32>
        %add3A_72 = arith.addf %add3A_50, %mul3A_71 : vector<16xf32>
        %mul3A_73 = arith.constant 200 : i32
        %mul3A_74 = arith.muli %select_n3A, %mul3A_73 : i32
        %add3A_75 = arith.constant 16 : i32
        %add3A_76 = arith.addi %mul3A_74, %add3A_75 : i32
        %get3A_77 = arith.index_cast %add3A_76 : i32 to index
        %get3A_78 = tpu.vector_load %arg7[%get3A_77] {strides = array<i32>} : memref<3200xf32, #tpu.memory_space<vmem>>, vector<16xf32>,
        %mul3A_79 = arith.mulf %get3A_78, %gather3A : vector<16xf32>
        %add3A_80 = arith.addf %mul3A_79, %gather3A_43 : vector<16xf32>
        %mul3A_81 = arith.mulf %add3A_80, %add3A_80 : vector<16xf32>
        %mul3A_82 = arith.constant -2.50521079E-8 : f32
        %mul3A_83 = vector.broadcast %mul3A_82 : f32 to vector<16xf32>
        %mul3A_84 = arith.mulf %mul3A_81, %mul3A_83 : vector<16xf32>
        %add3A_85 = arith.constant 2.75573188E-6 : f32
        %add3A_86 = vector.broadcast %add3A_85 : f32 to vector<16xf32>
        %add3A_87 = arith.addf %add3A_86, %mul3A_84 : vector<16xf32>
        %mul3A_88 = arith.mulf %mul3A_81, %add3A_87 : vector<16xf32>
        %add3A_89 = arith.constant -1.98412701E-4 : f32
        %add3A_90 = vector.broadcast %add3A_89 : f32 to vector<16xf32>
        %add3A_91 = arith.addf %add3A_90, %mul3A_88 : vector<16xf32>
        %mul3A_92 = arith.mulf %mul3A_81, %add3A_91 : vector<16xf32>
        %add3A_93 = arith.constant 0.00833333377 : f32
        %add3A_94 = vector.broadcast %add3A_93 : f32 to vector<16xf32>
        %add3A_95 = arith.addf %add3A_94, %mul3A_92 : vector<16xf32>
        %mul3A_96 = arith.mulf %mul3A_81, %add3A_95 : vector<16xf32>
        %add3A_97 = arith.constant -0.166666672 : f32
        %add3A_98 = vector.broadcast %add3A_97 : f32 to vector<16xf32>
        %add3A_99 = arith.addf %add3A_98, %mul3A_96 : vector<16xf32>
        %mul3A_100 = arith.mulf %add3A_80, %mul3A_81 : vector<16xf32>
        %mul3A_101 = arith.mulf %mul3A_100, %add3A_99 : vector<16xf32>
        %add3A_102 = arith.addf %add3A_80, %mul3A_101 : vector<16xf32>
        %mul3A_103 = arith.constant 200 : i32
        %mul3A_104 = arith.muli %select_n3A, %mul3A_103 : i32
        %add3A_105 = arith.constant 32 : i32
        %add3A_106 = arith.addi %mul3A_104, %add3A_105 : i32
        %get3A_107 = arith.index_cast %add3A_106 : i32 to index
        %get3A_108 = tpu.vector_load %arg7[%get3A_107] {strides = array<i32>} : memref<3200xf32, #tpu.memory_space<vmem>>, vector<16xf32>,
        %mul3A_109 = arith.mulf %get3A_108, %gather3A : vector<16xf32>
        %add3A_110 = arith.addf %mul3A_109, %gather3A_43 : vector<16xf32>
        %mul3A_111 = arith.mulf %add3A_110, %add3A_110 : vector<16xf32>
        %mul3A_112 = arith.constant -2.50521079E-8 : f32
        %mul3A_113 = vector.broadcast %mul3A_112 : f32 to vector<16xf32>
        %mul3A_114 = arith.mulf %mul3A_111, %mul3A_113 : vector<16xf32>
        %add3A_115 = arith.constant 2.75573188E-6 : f32
        %add3A_116 = vector.broadcast %add3A_115 : f32 to vector<16xf32>
        %add3A_117 = arith.addf %add3A_116, %mul3A_114 : vector<16xf32>
        %mul3A_118 = arith.mulf %mul3A_111, %add3A_117 : vector<16xf32>
        %add3A_119 = arith.constant -1.98412701E-4 : f32
        %add3A_120 = vector.broadcast %add3A_119 : f32 to vector<16xf32>
        %add3A_121 = arith.addf %add3A_120, %mul3A_118 : vector<16xf32>
        %mul3A_122 = arith.mulf %mul3A_111, %add3A_121 : vector<16xf32>
        %add3A_123 = arith.constant 0.00833333377 : f32
        %add3A_124 = vector.broadcast %add3A_123 : f32 to vector<16xf32>
        %add3A_125 = arith.addf %add3A_124, %mul3A_122 : vector<16xf32>
        %mul3A_126 = arith.mulf %mul3A_111, %add3A_125 : vector<16xf32>
        %add3A_127 = arith.constant -0.166666672 : f32
        %add3A_128 = vector.broadcast %add3A_127 : f32 to vector<16xf32>
        %add3A_129 = arith.addf %add3A_128, %mul3A_126 : vector<16xf32>
        %mul3A_130 = arith.mulf %add3A_110, %mul3A_111 : vector<16xf32>
        %mul3A_131 = arith.mulf %mul3A_130, %add3A_129 : vector<16xf32>
        %add3A_132 = arith.addf %add3A_110, %mul3A_131 : vector<16xf32>
        %mul3A_133 = arith.constant 200 : i32
        %mul3A_134 = arith.muli %select_n3A, %mul3A_133 : i32
        %add3A_135 = arith.constant 48 : i32
        %add3A_136 = arith.addi %mul3A_134, %add3A_135 : i32
        %get3A_137 = arith.index_cast %add3A_136 : i32 to index
        %get3A_138 = tpu.vector_load %arg7[%get3A_137] {strides = array<i32>} : memref<3200xf32, #tpu.memory_space<vmem>>, vector<16xf32>,
        %mul3A_139 = arith.mulf %get3A_138, %gather3A : vector<16xf32>
        %add3A_140 = arith.addf %mul3A_139, %gather3A_43 : vector<16xf32>
        %mul3A_141 = arith.mulf %add3A_140, %add3A_140 : vector<16xf32>
        %mul3A_142 = arith.constant -2.50521079E-8 : f32
        %mul3A_143 = vector.broadcast %mul3A_142 : f32 to vector<16xf32>
        %mul3A_144 = arith.mulf %mul3A_141, %mul3A_143 : vector<16xf32>
        %add3A_145 = arith.constant 2.75573188E-6 : f32
        %add3A_146 = vector.broadcast %add3A_145 : f32 to vector<16xf32>
        %add3A_147 = arith.addf %add3A_146, %mul3A_144 : vector<16xf32>
        %mul3A_148 = arith.mulf %mul3A_141, %add3A_147 : vector<16xf32>
        %add3A_149 = arith.constant -1.98412701E-4 : f32
        %add3A_150 = vector.broadcast %add3A_149 : f32 to vector<16xf32>
        %add3A_151 = arith.addf %add3A_150, %mul3A_148 : vector<16xf32>
        %mul3A_152 = arith.mulf %mul3A_141, %add3A_151 : vector<16xf32>
        %add3A_153 = arith.constant 0.00833333377 : f32
        %add3A_154 = vector.broadcast %add3A_153 : f32 to vector<16xf32>
        %add3A_155 = arith.addf %add3A_154, %mul3A_152 : vector<16xf32>
        %mul3A_156 = arith.mulf %mul3A_141, %add3A_155 : vector<16xf32>
        %add3A_157 = arith.constant -0.166666672 : f32
        %add3A_158 = vector.broadcast %add3A_157 : f32 to vector<16xf32>
        %add3A_159 = arith.addf %add3A_158, %mul3A_156 : vector<16xf32>
        %mul3A_160 = arith.mulf %add3A_140, %mul3A_141 : vector<16xf32>
        %mul3A_161 = arith.mulf %mul3A_160, %add3A_159 : vector<16xf32>
        %add3A_162 = arith.addf %add3A_140, %mul3A_161 : vector<16xf32>
        %mul3A_163 = arith.constant 200 : i32
        %mul3A_164 = arith.muli %select_n3A, %mul3A_163 : i32
        %add3A_165 = arith.constant 64 : i32
        %add3A_166 = arith.addi %mul3A_164, %add3A_165 : i32
        %get3A_167 = arith.index_cast %add3A_166 : i32 to index
        %get3A_168 = tpu.vector_load %arg7[%get3A_167] {strides = array<i32>} : memref<3200xf32, #tpu.memory_space<vmem>>, vector<16xf32>,
        %mul3A_169 = arith.mulf %get3A_168, %gather3A : vector<16xf32>
        %add3A_170 = arith.addf %mul3A_169, %gather3A_43 : vector<16xf32>
        %mul3A_171 = arith.mulf %add3A_170, %add3A_170 : vector<16xf32>
        %mul3A_172 = arith.constant -2.50521079E-8 : f32
        %mul3A_173 = vector.broadcast %mul3A_172 : f32 to vector<16xf32>
        %mul3A_174 = arith.mulf %mul3A_171, %mul3A_173 : vector<16xf32>
        %add3A_175 = arith.constant 2.75573188E-6 : f32
        %add3A_176 = vector.broadcast %add3A_175 : f32 to vector<16xf32>
        %add3A_177 = arith.addf %add3A_176, %mul3A_174 : vector<16xf32>
        %mul3A_178 = arith.mulf %mul3A_171, %add3A_177 : vector<16xf32>
        %add3A_179 = arith.constant -1.98412701E-4 : f32
        %add3A_180 = vector.broadcast %add3A_179 : f32 to vector<16xf32>
        %add3A_181 = arith.addf %add3A_180, %mul3A_178 : vector<16xf32>
        %mul3A_182 = arith.mulf %mul3A_171, %add3A_181 : vector<16xf32>
        %add3A_183 = arith.constant 0.00833333377 : f32
        %add3A_184 = vector.broadcast %add3A_183 : f32 to vector<16xf32>
        %add3A_185 = arith.addf %add3A_184, %mul3A_182 : vector<16xf32>
        %mul3A_186 = arith.mulf %mul3A_171, %add3A_185 : vector<16xf32>
        %add3A_187 = arith.constant -0.166666672 : f32
        %add3A_188 = vector.broadcast %add3A_187 : f32 to vector<16xf32>
        %add3A_189 = arith.addf %add3A_188, %mul3A_186 : vector<16xf32>
        %mul3A_190 = arith.mulf %add3A_170, %mul3A_171 : vector<16xf32>
        %mul3A_191 = arith.mulf %mul3A_190, %add3A_189 : vector<16xf32>
        %add3A_192 = arith.addf %add3A_170, %mul3A_191 : vector<16xf32>
        %mul3A_193 = arith.constant 200 : i32
        %mul3A_194 = arith.muli %select_n3A, %mul3A_193 : i32
        %add3A_195 = arith.constant 80 : i32
        %add3A_196 = arith.addi %mul3A_194, %add3A_195 : i32
        %get3A_197 = arith.index_cast %add3A_196 : i32 to index
        %get3A_198 = tpu.vector_load %arg7[%get3A_197] {strides = array<i32>} : memref<3200xf32, #tpu.memory_space<vmem>>, vector<16xf32>,
        %mul3A_199 = arith.mulf %get3A_198, %gather3A : vector<16xf32>
        %add3A_200 = arith.addf %mul3A_199, %gather3A_43 : vector<16xf32>
        %mul3A_201 = arith.mulf %add3A_200, %add3A_200 : vector<16xf32>
        %mul3A_202 = arith.constant -2.50521079E-8 : f32
        %mul3A_203 = vector.broadcast %mul3A_202 : f32 to vector<16xf32>
        %mul3A_204 = arith.mulf %mul3A_201, %mul3A_203 : vector<16xf32>
        %add3A_205 = arith.constant 2.75573188E-6 : f32
        %add3A_206 = vector.broadcast %add3A_205 : f32 to vector<16xf32>
        %add3A_207 = arith.addf %add3A_206, %mul3A_204 : vector<16xf32>
        %mul3A_208 = arith.mulf %mul3A_201, %add3A_207 : vector<16xf32>
        %add3A_209 = arith.constant -1.98412701E-4 : f32
        %add3A_210 = vector.broadcast %add3A_209 : f32 to vector<16xf32>
        %add3A_211 = arith.addf %add3A_210, %mul3A_208 : vector<16xf32>
        %mul3A_212 = arith.mulf %mul3A_201, %add3A_211 : vector<16xf32>
        %add3A_213 = arith.constant 0.00833333377 : f32
        %add3A_214 = vector.broadcast %add3A_213 : f32 to vector<16xf32>
        %add3A_215 = arith.addf %add3A_214, %mul3A_212 : vector<16xf32>
        %mul3A_216 = arith.mulf %mul3A_201, %add3A_215 : vector<16xf32>
        %add3A_217 = arith.constant -0.166666672 : f32
        %add3A_218 = vector.broadcast %add3A_217 : f32 to vector<16xf32>
        %add3A_219 = arith.addf %add3A_218, %mul3A_216 : vector<16xf32>
        %mul3A_220 = arith.mulf %add3A_200, %mul3A_201 : vector<16xf32>
        %mul3A_221 = arith.mulf %mul3A_220, %add3A_219 : vector<16xf32>
        %add3A_222 = arith.addf %add3A_200, %mul3A_221 : vector<16xf32>
        %mul3A_223 = arith.constant 200 : i32
        %mul3A_224 = arith.muli %select_n3A, %mul3A_223 : i32
        %add3A_225 = arith.constant 96 : i32
        %add3A_226 = arith.addi %mul3A_224, %add3A_225 : i32
        %get3A_227 = arith.index_cast %add3A_226 : i32 to index
        %get3A_228 = tpu.vector_load %arg7[%get3A_227] {strides = array<i32>} : memref<3200xf32, #tpu.memory_space<vmem>>, vector<16xf32>,
        %mul3A_229 = arith.mulf %get3A_228, %gather3A : vector<16xf32>
        %add3A_230 = arith.addf %mul3A_229, %gather3A_43 : vector<16xf32>
        %mul3A_231 = arith.mulf %add3A_230, %add3A_230 : vector<16xf32>
        %mul3A_232 = arith.constant -2.50521079E-8 : f32
        %mul3A_233 = vector.broadcast %mul3A_232 : f32 to vector<16xf32>
        %mul3A_234 = arith.mulf %mul3A_231, %mul3A_233 : vector<16xf32>
        %add3A_235 = arith.constant 2.75573188E-6 : f32
        %add3A_236 = vector.broadcast %add3A_235 : f32 to vector<16xf32>
        %add3A_237 = arith.addf %add3A_236, %mul3A_234 : vector<16xf32>
        %mul3A_238 = arith.mulf %mul3A_231, %add3A_237 : vector<16xf32>
        %add3A_239 = arith.constant -1.98412701E-4 : f32
        %add3A_240 = vector.broadcast %add3A_239 : f32 to vector<16xf32>
        %add3A_241 = arith.addf %add3A_240, %mul3A_238 : vector<16xf32>
        %mul3A_242 = arith.mulf %mul3A_231, %add3A_241 : vector<16xf32>
        %add3A_243 = arith.constant 0.00833333377 : f32
        %add3A_244 = vector.broadcast %add3A_243 : f32 to vector<16xf32>
        %add3A_245 = arith.addf %add3A_244, %mul3A_242 : vector<16xf32>
        %mul3A_246 = arith.mulf %mul3A_231, %add3A_245 : vector<16xf32>
        %add3A_247 = arith.constant -0.166666672 : f32
        %add3A_248 = vector.broadcast %add3A_247 : f32 to vector<16xf32>
        %add3A_249 = arith.addf %add3A_248, %mul3A_246 : vector<16xf32>
        %mul3A_250 = arith.mulf %add3A_230, %mul3A_231 : vector<16xf32>
        %mul3A_251 = arith.mulf %mul3A_250, %add3A_249 : vector<16xf32>
        %add3A_252 = arith.addf %add3A_230, %mul3A_251 : vector<16xf32>
        %mul3A_253 = arith.constant 200 : i32
        %mul3A_254 = arith.muli %select_n3A, %mul3A_253 : i32
        %add3A_255 = arith.constant 112 : i32
        %add3A_256 = arith.addi %mul3A_254, %add3A_255 : i32
        %get3A_257 = arith.index_cast %add3A_256 : i32 to index
        %get3A_258 = tpu.vector_load %arg7[%get3A_257] {strides = array<i32>} : memref<3200xf32, #tpu.memory_space<vmem>>, vector<16xf32>,
        %mul3A_259 = arith.mulf %get3A_258, %gather3A : vector<16xf32>
        %add3A_260 = arith.addf %mul3A_259, %gather3A_43 : vector<16xf32>
        %mul3A_261 = arith.mulf %add3A_260, %add3A_260 : vector<16xf32>
        %mul3A_262 = arith.constant -2.50521079E-8 : f32
        %mul3A_263 = vector.broadcast %mul3A_262 : f32 to vector<16xf32>
        %mul3A_264 = arith.mulf %mul3A_261, %mul3A_263 : vector<16xf32>
        %add3A_265 = arith.constant 2.75573188E-6 : f32
        %add3A_266 = vector.broadcast %add3A_265 : f32 to vector<16xf32>
        %add3A_267 = arith.addf %add3A_266, %mul3A_264 : vector<16xf32>
        %mul3A_268 = arith.mulf %mul3A_261, %add3A_267 : vector<16xf32>
        %add3A_269 = arith.constant -1.98412701E-4 : f32
        %add3A_270 = vector.broadcast %add3A_269 : f32 to vector<16xf32>
        %add3A_271 = arith.addf %add3A_270, %mul3A_268 : vector<16xf32>
        %mul3A_272 = arith.mulf %mul3A_261, %add3A_271 : vector<16xf32>
        %add3A_273 = arith.constant 0.00833333377 : f32
        %add3A_274 = vector.broadcast %add3A_273 : f32 to vector<16xf32>
        %add3A_275 = arith.addf %add3A_274, %mul3A_272 : vector<16xf32>
        %mul3A_276 = arith.mulf %mul3A_261, %add3A_275 : vector<16xf32>
        %add3A_277 = arith.constant -0.166666672 : f32
        %add3A_278 = vector.broadcast %add3A_277 : f32 to vector<16xf32>
        %add3A_279 = arith.addf %add3A_278, %mul3A_276 : vector<16xf32>
        %mul3A_280 = arith.mulf %add3A_260, %mul3A_261 : vector<16xf32>
        %mul3A_281 = arith.mulf %mul3A_280, %add3A_279 : vector<16xf32>
        %add3A_282 = arith.addf %add3A_260, %mul3A_281 : vector<16xf32>
        %mul3A_283 = arith.constant 200 : i32
        %mul3A_284 = arith.muli %select_n3A, %mul3A_283 : i32
        %add3A_285 = arith.constant 128 : i32
        %add3A_286 = arith.addi %mul3A_284, %add3A_285 : i32
        %get3A_287 = arith.index_cast %add3A_286 : i32 to index
        %get3A_288 = tpu.vector_load %arg7[%get3A_287] {strides = array<i32>} : memref<3200xf32, #tpu.memory_space<vmem>>, vector<16xf32>,
        %mul3A_289 = arith.mulf %get3A_288, %gather3A : vector<16xf32>
        %add3A_290 = arith.addf %mul3A_289, %gather3A_43 : vector<16xf32>
        %mul3A_291 = arith.mulf %add3A_290, %add3A_290 : vector<16xf32>
        %mul3A_292 = arith.constant -2.50521079E-8 : f32
        %mul3A_293 = vector.broadcast %mul3A_292 : f32 to vector<16xf32>
        %mul3A_294 = arith.mulf %mul3A_291, %mul3A_293 : vector<16xf32>
        %add3A_295 = arith.constant 2.75573188E-6 : f32
        %add3A_296 = vector.broadcast %add3A_295 : f32 to vector<16xf32>
        %add3A_297 = arith.addf %add3A_296, %mul3A_294 : vector<16xf32>
        %mul3A_298 = arith.mulf %mul3A_291, %add3A_297 : vector<16xf32>
        %add3A_299 = arith.constant -1.98412701E-4 : f32
        %add3A_300 = vector.broadcast %add3A_299 : f32 to vector<16xf32>
        %add3A_301 = arith.addf %add3A_300, %mul3A_298 : vector<16xf32>
        %mul3A_302 = arith.mulf %mul3A_291, %add3A_301 : vector<16xf32>
        %add3A_303 = arith.constant 0.00833333377 : f32
        %add3A_304 = vector.broadcast %add3A_303 : f32 to vector<16xf32>
        %add3A_305 = arith.addf %add3A_304, %mul3A_302 : vector<16xf32>
        %mul3A_306 = arith.mulf %mul3A_291, %add3A_305 : vector<16xf32>
        %add3A_307 = arith.constant -0.166666672 : f32
        %add3A_308 = vector.broadcast %add3A_307 : f32 to vector<16xf32>
        %add3A_309 = arith.addf %add3A_308, %mul3A_306 : vector<16xf32>
        %mul3A_310 = arith.mulf %add3A_290, %mul3A_291 : vector<16xf32>
        %mul3A_311 = arith.mulf %mul3A_310, %add3A_309 : vector<16xf32>
        %add3A_312 = arith.addf %add3A_290, %mul3A_311 : vector<16xf32>
        %mul3A_313 = arith.constant 200 : i32
        %mul3A_314 = arith.muli %select_n3A, %mul3A_313 : i32
        %add3A_315 = arith.constant 144 : i32
        %add3A_316 = arith.addi %mul3A_314, %add3A_315 : i32
        %get3A_317 = arith.index_cast %add3A_316 : i32 to index
        %get3A_318 = tpu.vector_load %arg7[%get3A_317] {strides = array<i32>} : memref<3200xf32, #tpu.memory_space<vmem>>, vector<16xf32>,
        %mul3A_319 = arith.mulf %get3A_318, %gather3A : vector<16xf32>
        %add3A_320 = arith.addf %mul3A_319, %gather3A_43 : vector<16xf32>
        %mul3A_321 = arith.mulf %add3A_320, %add3A_320 : vector<16xf32>
        %mul3A_322 = arith.constant -2.50521079E-8 : f32
        %mul3A_323 = vector.broadcast %mul3A_322 : f32 to vector<16xf32>
        %mul3A_324 = arith.mulf %mul3A_321, %mul3A_323 : vector<16xf32>
        %add3A_325 = arith.constant 2.75573188E-6 : f32
        %add3A_326 = vector.broadcast %add3A_325 : f32 to vector<16xf32>
        %add3A_327 = arith.addf %add3A_326, %mul3A_324 : vector<16xf32>
        %mul3A_328 = arith.mulf %mul3A_321, %add3A_327 : vector<16xf32>
        %add3A_329 = arith.constant -1.98412701E-4 : f32
        %add3A_330 = vector.broadcast %add3A_329 : f32 to vector<16xf32>
        %add3A_331 = arith.addf %add3A_330, %mul3A_328 : vector<16xf32>
        %mul3A_332 = arith.mulf %mul3A_321, %add3A_331 : vector<16xf32>
        %add3A_333 = arith.constant 0.00833333377 : f32
        %add3A_334 = vector.broadcast %add3A_333 : f32 to vector<16xf32>
        %add3A_335 = arith.addf %add3A_334, %mul3A_332 : vector<16xf32>
        %mul3A_336 = arith.mulf %mul3A_321, %add3A_335 : vector<16xf32>
        %add3A_337 = arith.constant -0.166666672 : f32
        %add3A_338 = vector.broadcast %add3A_337 : f32 to vector<16xf32>
        %add3A_339 = arith.addf %add3A_338, %mul3A_336 : vector<16xf32>
        %mul3A_340 = arith.mulf %add3A_320, %mul3A_321 : vector<16xf32>
        %mul3A_341 = arith.mulf %mul3A_340, %add3A_339 : vector<16xf32>
        %add3A_342 = arith.addf %add3A_320, %mul3A_341 : vector<16xf32>
        %mul3A_343 = arith.constant 200 : i32
        %mul3A_344 = arith.muli %select_n3A, %mul3A_343 : i32
        %add3A_345 = arith.constant 160 : i32
        %add3A_346 = arith.addi %mul3A_344, %add3A_345 : i32
        %get3A_347 = arith.index_cast %add3A_346 : i32 to index
        %get3A_348 = tpu.vector_load %arg7[%get3A_347] {strides = array<i32>} : memref<3200xf32, #tpu.memory_space<vmem>>, vector<16xf32>,
        %mul3A_349 = arith.mulf %get3A_348, %gather3A : vector<16xf32>
        %add3A_350 = arith.addf %mul3A_349, %gather3A_43 : vector<16xf32>
        %mul3A_351 = arith.mulf %add3A_350, %add3A_350 : vector<16xf32>
        %mul3A_352 = arith.constant -2.50521079E-8 : f32
        %mul3A_353 = vector.broadcast %mul3A_352 : f32 to vector<16xf32>
        %mul3A_354 = arith.mulf %mul3A_351, %mul3A_353 : vector<16xf32>
        %add3A_355 = arith.constant 2.75573188E-6 : f32
        %add3A_356 = vector.broadcast %add3A_355 : f32 to vector<16xf32>
        %add3A_357 = arith.addf %add3A_356, %mul3A_354 : vector<16xf32>
        %mul3A_358 = arith.mulf %mul3A_351, %add3A_357 : vector<16xf32>
        %add3A_359 = arith.constant -1.98412701E-4 : f32
        %add3A_360 = vector.broadcast %add3A_359 : f32 to vector<16xf32>
        %add3A_361 = arith.addf %add3A_360, %mul3A_358 : vector<16xf32>
        %mul3A_362 = arith.mulf %mul3A_351, %add3A_361 : vector<16xf32>
        %add3A_363 = arith.constant 0.00833333377 : f32
        %add3A_364 = vector.broadcast %add3A_363 : f32 to vector<16xf32>
        %add3A_365 = arith.addf %add3A_364, %mul3A_362 : vector<16xf32>
        %mul3A_366 = arith.mulf %mul3A_351, %add3A_365 : vector<16xf32>
        %add3A_367 = arith.constant -0.166666672 : f32
        %add3A_368 = vector.broadcast %add3A_367 : f32 to vector<16xf32>
        %add3A_369 = arith.addf %add3A_368, %mul3A_366 : vector<16xf32>
        %mul3A_370 = arith.mulf %add3A_350, %mul3A_351 : vector<16xf32>
        %mul3A_371 = arith.mulf %mul3A_370, %add3A_369 : vector<16xf32>
        %add3A_372 = arith.addf %add3A_350, %mul3A_371 : vector<16xf32>
        %mul3A_373 = arith.constant 200 : i32
        %mul3A_374 = arith.muli %select_n3A, %mul3A_373 : i32
        %add3A_375 = arith.constant 176 : i32
        %add3A_376 = arith.addi %mul3A_374, %add3A_375 : i32
        %get3A_377 = arith.index_cast %add3A_376 : i32 to index
        %get3A_378 = tpu.vector_load %arg7[%get3A_377] {strides = array<i32>} : memref<3200xf32, #tpu.memory_space<vmem>>, vector<16xf32>,
        %mul3A_379 = arith.mulf %get3A_378, %gather3A : vector<16xf32>
        %add3A_380 = arith.addf %mul3A_379, %gather3A_43 : vector<16xf32>
        %mul3A_381 = arith.mulf %add3A_380, %add3A_380 : vector<16xf32>
        %mul3A_382 = arith.constant -2.50521079E-8 : f32
        %mul3A_383 = vector.broadcast %mul3A_382 : f32 to vector<16xf32>
        %mul3A_384 = arith.mulf %mul3A_381, %mul3A_383 : vector<16xf32>
        %add3A_385 = arith.constant 2.75573188E-6 : f32
        %add3A_386 = vector.broadcast %add3A_385 : f32 to vector<16xf32>
        %add3A_387 = arith.addf %add3A_386, %mul3A_384 : vector<16xf32>
        %mul3A_388 = arith.mulf %mul3A_381, %add3A_387 : vector<16xf32>
        %add3A_389 = arith.constant -1.98412701E-4 : f32
        %add3A_390 = vector.broadcast %add3A_389 : f32 to vector<16xf32>
        %add3A_391 = arith.addf %add3A_390, %mul3A_388 : vector<16xf32>
        %mul3A_392 = arith.mulf %mul3A_381, %add3A_391 : vector<16xf32>
        %add3A_393 = arith.constant 0.00833333377 : f32
        %add3A_394 = vector.broadcast %add3A_393 : f32 to vector<16xf32>
        %add3A_395 = arith.addf %add3A_394, %mul3A_392 : vector<16xf32>
        %mul3A_396 = arith.mulf %mul3A_381, %add3A_395 : vector<16xf32>
        %add3A_397 = arith.constant -0.166666672 : f32
        %add3A_398 = vector.broadcast %add3A_397 : f32 to vector<16xf32>
        %add3A_399 = arith.addf %add3A_398, %mul3A_396 : vector<16xf32>
        %mul3A_400 = arith.mulf %add3A_380, %mul3A_381 : vector<16xf32>
        %mul3A_401 = arith.mulf %mul3A_400, %add3A_399 : vector<16xf32>
        %add3A_402 = arith.addf %add3A_380, %mul3A_401 : vector<16xf32>
        %mul3A_403 = arith.constant 200 : i32
        %mul3A_404 = arith.muli %select_n3A, %mul3A_403 : i32
        %add3A_405 = arith.constant 184 : i32
        %add3A_406 = arith.addi %mul3A_404, %add3A_405 : i32
        %get3A_407 = arith.index_cast %add3A_406 : i32 to index
        %get3A_408 = tpu.vector_load %arg7[%get3A_407] {strides = array<i32>} : memref<3200xf32, #tpu.memory_space<vmem>>, vector<16xf32>,
        %mul3A_409 = arith.mulf %get3A_408, %gather3A : vector<16xf32>
        %add3A_410 = arith.addf %mul3A_409, %gather3A_43 : vector<16xf32>
        %mul3A_411 = arith.mulf %add3A_410, %add3A_410 : vector<16xf32>
        %mul3A_412 = arith.constant -2.50521079E-8 : f32
        %mul3A_413 = vector.broadcast %mul3A_412 : f32 to vector<16xf32>
        %mul3A_414 = arith.mulf %mul3A_411, %mul3A_413 : vector<16xf32>
        %add3A_415 = arith.constant 2.75573188E-6 : f32
        %add3A_416 = vector.broadcast %add3A_415 : f32 to vector<16xf32>
        %add3A_417 = arith.addf %add3A_416, %mul3A_414 : vector<16xf32>
        %mul3A_418 = arith.mulf %mul3A_411, %add3A_417 : vector<16xf32>
        %add3A_419 = arith.constant -1.98412701E-4 : f32
        %add3A_420 = vector.broadcast %add3A_419 : f32 to vector<16xf32>
        %add3A_421 = arith.addf %add3A_420, %mul3A_418 : vector<16xf32>
        %mul3A_422 = arith.mulf %mul3A_411, %add3A_421 : vector<16xf32>
        %add3A_423 = arith.constant 0.00833333377 : f32
        %add3A_424 = vector.broadcast %add3A_423 : f32 to vector<16xf32>
        %add3A_425 = arith.addf %add3A_424, %mul3A_422 : vector<16xf32>
        %mul3A_426 = arith.mulf %mul3A_411, %add3A_425 : vector<16xf32>
        %add3A_427 = arith.constant -0.166666672 : f32
        %add3A_428 = vector.broadcast %add3A_427 : f32 to vector<16xf32>
        %add3A_429 = arith.addf %add3A_428, %mul3A_426 : vector<16xf32>
        %mul3A_430 = arith.mulf %add3A_410, %mul3A_411 : vector<16xf32>
        %mul3A_431 = arith.mulf %mul3A_430, %add3A_429 : vector<16xf32>
        %add3A_432 = arith.addf %add3A_410, %mul3A_431 : vector<16xf32>
        %scan3A_433 = arith.constant 0 : i32
        %scan3A_434 = arith.constant 0 : i32
        %scan3A_435 = arith.constant 100 : i32
        %scan3A_436 = arith.addi %scan3A_434, %scan3A_435 : i32
        %scan3A_437 = arith.constant 1 : i32
        %scan3A_438 = scf.for %scan3A_440 = %scan3A_434 to %scan3A_436 step %scan3A_437 iter_args(%scan3A_441 = %scan3A_433) -> (i32)  : i32 {
          %swap3A = arith.index_cast %scan3A_440 : i32 to index
          %swap3A_442 = arith.constant 0 : index
          %swap3A_443 = tpu.vector_load %arg11[%swap3A, %swap3A_442] {strides = array<i32>} : memref<100x200xf32, #tpu.memory_space<vmem>>, vector<16xf32>,
          tpu.vector_store %arg11[%swap3A, %swap3A_442], %add3A_72 {strides = array<i32>} : memref<100x200xf32, #tpu.memory_space<vmem>>, vector<16xf32>,
          %swap3A_444 = arith.index_cast %scan3A_440 : i32 to index
          %swap3A_445 = arith.constant 16 : index
          %swap3A_446 = tpu.vector_load %arg11[%swap3A_444, %swap3A_445] {strides = array<i32>} : memref<100x200xf32, #tpu.memory_space<vmem>>, vector<16xf32>,
          tpu.vector_store %arg11[%swap3A_444, %swap3A_445], %add3A_102 {strides = array<i32>} : memref<100x200xf32, #tpu.memory_space<vmem>>, vector<16xf32>,
          %swap3A_447 = arith.index_cast %scan3A_440 : i32 to index
          %swap3A_448 = arith.constant 32 : index
          %swap3A_449 = tpu.vector_load %arg11[%swap3A_447, %swap3A_448] {strides = array<i32>} : memref<100x200xf32, #tpu.memory_space<vmem>>, vector<16xf32>,
          tpu.vector_store %arg11[%swap3A_447, %swap3A_448], %add3A_132 {strides = array<i32>} : memref<100x200xf32, #tpu.memory_space<vmem>>, vector<16xf32>,
          %swap3A_450 = arith.index_cast %scan3A_440 : i32 to index
          %swap3A_451 = arith.constant 48 : index
          %swap3A_452 = tpu.vector_load %arg11[%swap3A_450, %swap3A_451] {strides = array<i32>} : memref<100x200xf32, #tpu.memory_space<vmem>>, vector<16xf32>,
          tpu.vector_store %arg11[%swap3A_450, %swap3A_451], %add3A_162 {strides = array<i32>} : memref<100x200xf32, #tpu.memory_space<vmem>>, vector<16xf32>,
          %swap3A_453 = arith.index_cast %scan3A_440 : i32 to index
          %swap3A_454 = arith.constant 64 : index
          %swap3A_455 = tpu.vector_load %arg11[%swap3A_453, %swap3A_454] {strides = array<i32>} : memref<100x200xf32, #tpu.memory_space<vmem>>, vector<16xf32>,
          tpu.vector_store %arg11[%swap3A_453, %swap3A_454], %add3A_192 {strides = array<i32>} : memref<100x200xf32, #tpu.memory_space<vmem>>, vector<16xf32>,
          %swap3A_456 = arith.index_cast %scan3A_440 : i32 to index
          %swap3A_457 = arith.constant 80 : index
          %swap3A_458 = tpu.vector_load %arg11[%swap3A_456, %swap3A_457] {strides = array<i32>} : memref<100x200xf32, #tpu.memory_space<vmem>>, vector<16xf32>,
          tpu.vector_store %arg11[%swap3A_456, %swap3A_457], %add3A_222 {strides = array<i32>} : memref<100x200xf32, #tpu.memory_space<vmem>>, vector<16xf32>,
          %swap3A_459 = arith.index_cast %scan3A_440 : i32 to index
          %swap3A_460 = arith.constant 96 : index
          %swap3A_461 = tpu.vector_load %arg11[%swap3A_459, %swap3A_460] {strides = array<i32>} : memref<100x200xf32, #tpu.memory_space<vmem>>, vector<16xf32>,
          tpu.vector_store %arg11[%swap3A_459, %swap3A_460], %add3A_252 {strides = array<i32>} : memref<100x200xf32, #tpu.memory_space<vmem>>, vector<16xf32>,
          %swap3A_462 = arith.index_cast %scan3A_440 : i32 to index
          %swap3A_463 = arith.constant 112 : index
          %swap3A_464 = tpu.vector_load %arg11[%swap3A_462, %swap3A_463] {strides = array<i32>} : memref<100x200xf32, #tpu.memory_space<vmem>>, vector<16xf32>,
          tpu.vector_store %arg11[%swap3A_462, %swap3A_463], %add3A_282 {strides = array<i32>} : memref<100x200xf32, #tpu.memory_space<vmem>>, vector<16xf32>,
          %swap3A_465 = arith.index_cast %scan3A_440 : i32 to index
          %swap3A_466 = arith.constant 128 : index
          %swap3A_467 = tpu.vector_load %arg11[%swap3A_465, %swap3A_466] {strides = array<i32>} : memref<100x200xf32, #tpu.memory_space<vmem>>, vector<16xf32>,
          tpu.vector_store %arg11[%swap3A_465, %swap3A_466], %add3A_312 {strides = array<i32>} : memref<100x200xf32, #tpu.memory_space<vmem>>, vector<16xf32>,
          %swap3A_468 = arith.index_cast %scan3A_440 : i32 to index
          %swap3A_469 = arith.constant 144 : index
          %swap3A_470 = tpu.vector_load %arg11[%swap3A_468, %swap3A_469] {strides = array<i32>} : memref<100x200xf32, #tpu.memory_space<vmem>>, vector<16xf32>,
          tpu.vector_store %arg11[%swap3A_468, %swap3A_469], %add3A_342 {strides = array<i32>} : memref<100x200xf32, #tpu.memory_space<vmem>>, vector<16xf32>,
          %swap3A_471 = arith.index_cast %scan3A_440 : i32 to index
          %swap3A_472 = arith.constant 160 : index
          %swap3A_473 = tpu.vector_load %arg11[%swap3A_471, %swap3A_472] {strides = array<i32>} : memref<100x200xf32, #tpu.memory_space<vmem>>, vector<16xf32>,
          tpu.vector_store %arg11[%swap3A_471, %swap3A_472], %add3A_372 {strides = array<i32>} : memref<100x200xf32, #tpu.memory_space<vmem>>, vector<16xf32>,
          %swap3A_474 = arith.index_cast %scan3A_440 : i32 to index
          %swap3A_475 = arith.constant 176 : index
          %swap3A_476 = tpu.vector_load %arg11[%swap3A_474, %swap3A_475] {strides = array<i32>} : memref<100x200xf32, #tpu.memory_space<vmem>>, vector<16xf32>,
          tpu.vector_store %arg11[%swap3A_474, %swap3A_475], %add3A_402 {strides = array<i32>} : memref<100x200xf32, #tpu.memory_space<vmem>>, vector<16xf32>,
          %swap3A_477 = arith.index_cast %scan3A_440 : i32 to index
          %swap3A_478 = arith.constant 184 : index
          %swap3A_479 = tpu.vector_load %arg11[%swap3A_477, %swap3A_478] {strides = array<i32>} : memref<100x200xf32, #tpu.memory_space<vmem>>, vector<16xf32>,
          tpu.vector_store %arg11[%swap3A_477, %swap3A_478], %add3A_432 {strides = array<i32>} : memref<100x200xf32, #tpu.memory_space<vmem>>, vector<16xf32>,
          %scan3A_480 = arith.constant 0 : i32
          scf.yield %scan3A_480 : i32
        }
        %scan3A_439 = arith.constant 100 : i32
      } else {
        %sub3A_43 = arith.constant 128 : i32
        %sub3A_44 = arith.subi %select_n3A_39, %sub3A_43 : i32
        %scan3A_45 = arith.constant 0 : i32
        %scan3A_46 = arith.constant 0 : i32
        %scan3A_47 = arith.constant 100 : i32
        %scan3A_48 = arith.addi %scan3A_46, %scan3A_47 : i32
        %scan3A_49 = arith.constant 1 : i32
        %scan3A_50 = scf.for %scan3A_52 = %scan3A_46 to %scan3A_48 step %scan3A_49 iter_args(%scan3A_53 = %scan3A_45) -> (i32)  : i32 {
          %mul3A_54 = arith.constant 16 : i32
          %mul3A_55 = arith.muli %scan3A_52, %mul3A_54 : i32
          %add3A_56 = arith.addi %mul3A_55, %sub3A_44 : i32
          %broadcast_in_dim3A = vector.broadcast %add3A_56 : i32 to vector<16xi32>
          %gather3A = tpu.vector_load_idx %arg8[%broadcast_in_dim3A] : memref<1600xf32, #tpu.memory_space<vmem>>[vector<16xi32>], vector<16xf32>,
          %swap3A = arith.index_cast %scan3A_52 : i32 to index
          %swap3A_57 = arith.constant 0 : index
          %swap3A_58 = tpu.vector_load %arg11[%swap3A, %swap3A_57] {strides = array<i32>} : memref<100x200xf32, #tpu.memory_space<vmem>>, vector<16xf32>,
          tpu.vector_store %arg11[%swap3A, %swap3A_57], %gather3A {strides = array<i32>} : memref<100x200xf32, #tpu.memory_space<vmem>>, vector<16xf32>,
          %swap3A_59 = arith.index_cast %scan3A_52 : i32 to index
          %swap3A_60 = arith.constant 16 : index
          %swap3A_61 = tpu.vector_load %arg11[%swap3A_59, %swap3A_60] {strides = array<i32>} : memref<100x200xf32, #tpu.memory_space<vmem>>, vector<16xf32>,
          tpu.vector_store %arg11[%swap3A_59, %swap3A_60], %gather3A {strides = array<i32>} : memref<100x200xf32, #tpu.memory_space<vmem>>, vector<16xf32>,
          %swap3A_62 = arith.index_cast %scan3A_52 : i32 to index
          %swap3A_63 = arith.constant 32 : index
          %swap3A_64 = tpu.vector_load %arg11[%swap3A_62, %swap3A_63] {strides = array<i32>} : memref<100x200xf32, #tpu.memory_space<vmem>>, vector<16xf32>,
          tpu.vector_store %arg11[%swap3A_62, %swap3A_63], %gather3A {strides = array<i32>} : memref<100x200xf32, #tpu.memory_space<vmem>>, vector<16xf32>,
          %swap3A_65 = arith.index_cast %scan3A_52 : i32 to index
          %swap3A_66 = arith.constant 48 : index
          %swap3A_67 = tpu.vector_load %arg11[%swap3A_65, %swap3A_66] {strides = array<i32>} : memref<100x200xf32, #tpu.memory_space<vmem>>, vector<16xf32>,
          tpu.vector_store %arg11[%swap3A_65, %swap3A_66], %gather3A {strides = array<i32>} : memref<100x200xf32, #tpu.memory_space<vmem>>, vector<16xf32>,
          %swap3A_68 = arith.index_cast %scan3A_52 : i32 to index
          %swap3A_69 = arith.constant 64 : index
          %swap3A_70 = tpu.vector_load %arg11[%swap3A_68, %swap3A_69] {strides = array<i32>} : memref<100x200xf32, #tpu.memory_space<vmem>>, vector<16xf32>,
          tpu.vector_store %arg11[%swap3A_68, %swap3A_69], %gather3A {strides = array<i32>} : memref<100x200xf32, #tpu.memory_space<vmem>>, vector<16xf32>,
          %swap3A_71 = arith.index_cast %scan3A_52 : i32 to index
          %swap3A_72 = arith.constant 80 : index
          %swap3A_73 = tpu.vector_load %arg11[%swap3A_71, %swap3A_72] {strides = array<i32>} : memref<100x200xf32, #tpu.memory_space<vmem>>, vector<16xf32>,
          tpu.vector_store %arg11[%swap3A_71, %swap3A_72], %gather3A {strides = array<i32>} : memref<100x200xf32, #tpu.memory_space<vmem>>, vector<16xf32>,
          %swap3A_74 = arith.index_cast %scan3A_52 : i32 to index
          %swap3A_75 = arith.constant 96 : index
          %swap3A_76 = tpu.vector_load %arg11[%swap3A_74, %swap3A_75] {strides = array<i32>} : memref<100x200xf32, #tpu.memory_space<vmem>>, vector<16xf32>,
          tpu.vector_store %arg11[%swap3A_74, %swap3A_75], %gather3A {strides = array<i32>} : memref<100x200xf32, #tpu.memory_space<vmem>>, vector<16xf32>,
          %swap3A_77 = arith.index_cast %scan3A_52 : i32 to index
          %swap3A_78 = arith.constant 112 : index
          %swap3A_79 = tpu.vector_load %arg11[%swap3A_77, %swap3A_78] {strides = array<i32>} : memref<100x200xf32, #tpu.memory_space<vmem>>, vector<16xf32>,
          tpu.vector_store %arg11[%swap3A_77, %swap3A_78], %gather3A {strides = array<i32>} : memref<100x200xf32, #tpu.memory_space<vmem>>, vector<16xf32>,
          %swap3A_80 = arith.index_cast %scan3A_52 : i32 to index
          %swap3A_81 = arith.constant 128 : index
          %swap3A_82 = tpu.vector_load %arg11[%swap3A_80, %swap3A_81] {strides = array<i32>} : memref<100x200xf32, #tpu.memory_space<vmem>>, vector<16xf32>,
          tpu.vector_store %arg11[%swap3A_80, %swap3A_81], %gather3A {strides = array<i32>} : memref<100x200xf32, #tpu.memory_space<vmem>>, vector<16xf32>,
          %swap3A_83 = arith.index_cast %scan3A_52 : i32 to index
          %swap3A_84 = arith.constant 144 : index
          %swap3A_85 = tpu.vector_load %arg11[%swap3A_83, %swap3A_84] {strides = array<i32>} : memref<100x200xf32, #tpu.memory_space<vmem>>, vector<16xf32>,
          tpu.vector_store %arg11[%swap3A_83, %swap3A_84], %gather3A {strides = array<i32>} : memref<100x200xf32, #tpu.memory_space<vmem>>, vector<16xf32>,
          %swap3A_86 = arith.index_cast %scan3A_52 : i32 to index
          %swap3A_87 = arith.constant 160 : index
          %swap3A_88 = tpu.vector_load %arg11[%swap3A_86, %swap3A_87] {strides = array<i32>} : memref<100x200xf32, #tpu.memory_space<vmem>>, vector<16xf32>,
          tpu.vector_store %arg11[%swap3A_86, %swap3A_87], %gather3A {strides = array<i32>} : memref<100x200xf32, #tpu.memory_space<vmem>>, vector<16xf32>,
          %swap3A_89 = arith.index_cast %scan3A_52 : i32 to index
          %swap3A_90 = arith.constant 176 : index
          %swap3A_91 = tpu.vector_load %arg11[%swap3A_89, %swap3A_90] {strides = array<i32>} : memref<100x200xf32, #tpu.memory_space<vmem>>, vector<16xf32>,
          tpu.vector_store %arg11[%swap3A_89, %swap3A_90], %gather3A {strides = array<i32>} : memref<100x200xf32, #tpu.memory_space<vmem>>, vector<16xf32>,
          %swap3A_92 = arith.index_cast %scan3A_52 : i32 to index
          %swap3A_93 = arith.constant 184 : index
          %swap3A_94 = tpu.vector_load %arg11[%swap3A_92, %swap3A_93] {strides = array<i32>} : memref<100x200xf32, #tpu.memory_space<vmem>>, vector<16xf32>,
          tpu.vector_store %arg11[%swap3A_92, %swap3A_93], %gather3A {strides = array<i32>} : memref<100x200xf32, #tpu.memory_space<vmem>>, vector<16xf32>,
          %scan3A_95 = arith.constant 0 : i32
          scf.yield %scan3A_95 : i32
        }
        %scan3A_51 = arith.constant 100 : i32
      }
      "tpu.region"() ({
        %run_scoped3A = tpu.sem_alloc : memref<!tpu.dma_semaphore, #tpu.memory_space<semaphore_mem>>
        %dma_start3A = arith.constant 0 : i32
        %dma_start3A_43 = arith.constant 0 : i32
        %dma_start3A_44 = tpu.memref_slice %arg6[%select_n3A, %select_n3A_39, %dma_start3A, %dma_start3A_43] : memref<16x144x100x200xf32, #tpu.memory_space<hbm>> -> memref<1x1x100x200xf32, #tpu.memory_space<hbm>>
        %dma_start3A_45 = tpu.memref_squeeze %dma_start3A_44 : memref<1x1x100x200xf32, #tpu.memory_space<hbm>> -> memref<100x200xf32, #tpu.memory_space<hbm>>
        %dma_start3A_46 = arith.constant 0 : i32
        %dma_start3A_47 = arith.constant 0 : i32
        %dma_start3A_48 = tpu.memref_slice %arg6[%select_n3A, %select_n3A_39, %dma_start3A_46, %dma_start3A_47] : memref<16x144x100x200xf32, #tpu.memory_space<hbm>> -> memref<1x1x100x200xf32, #tpu.memory_space<hbm>>
        %dma_start3A_49 = tpu.memref_squeeze %dma_start3A_48 : memref<1x1x100x200xf32, #tpu.memory_space<hbm>> -> memref<100x200xf32, #tpu.memory_space<hbm>>
        tpu.enqueue_dma source(%arg11 : memref<100x200xf32, #tpu.memory_space<vmem>>) target(%dma_start3A_49 : memref<100x200xf32, #tpu.memory_space<hbm>>) target_semaphore(%run_scoped3A : memref<!tpu.dma_semaphore, #tpu.memory_space<semaphore_mem>>)
        %dma_wait3A = arith.constant 0 : i32
        %dma_wait3A_50 = arith.constant 0 : i32
        %dma_wait3A_51 = tpu.memref_slice %arg6[%select_n3A, %select_n3A_39, %dma_wait3A, %dma_wait3A_50] : memref<16x144x100x200xf32, #tpu.memory_space<hbm>> -> memref<1x1x100x200xf32, #tpu.memory_space<hbm>>
        %dma_wait3A_52 = tpu.memref_squeeze %dma_wait3A_51 : memref<1x1x100x200xf32, #tpu.memory_space<hbm>> -> memref<100x200xf32, #tpu.memory_space<hbm>>
        %dma_wait3A_53 = arith.constant 0 : i32
        %dma_wait3A_54 = arith.constant 0 : i32
        %dma_wait3A_55 = tpu.memref_slice %arg6[%select_n3A, %select_n3A_39, %dma_wait3A_53, %dma_wait3A_54] : memref<16x144x100x200xf32, #tpu.memory_space<hbm>> -> memref<1x1x100x200xf32, #tpu.memory_space<hbm>>
        %dma_wait3A_56 = tpu.memref_squeeze %dma_wait3A_55 : memref<1x1x100x200xf32, #tpu.memory_space<hbm>> -> memref<100x200xf32, #tpu.memory_space<hbm>>
        tpu.wait_dma2 semaphore(%run_scoped3A : memref<!tpu.dma_semaphore, #tpu.memory_space<semaphore_mem>>) src(%arg11 : memref<100x200xf32, #tpu.memory_space<vmem>>) dst(%dma_wait3A_56 : memref<100x200xf32, #tpu.memory_space<hbm>>)
        tpu.yield
      }) : () -> ()
    }
    %scan3A_5 = arith.constant 72 : i32
    return
  }
}

</mosaic_0001>

<sc_bundles>
// kernel: kernel.3.cloned.1.call-start
scs
__scs_entry_jumppad:
0x0: {  	(pc) =	sbr.rel $0x88, $3  }
0x1: {  	(tag) =	ssettag $0x0;
	lr =	simm.s32 $0x1  }
0x2: {  	[smem:$0x3F9F] =	sst lr;
	_ =	strace $0xD0000000  }
0x3: {  	_ = 	snop  }
0x4: {  	_ = 	snop  }
0x5: {  	_ = 	snop  }
0x6: {  	_ = 	snop  }
0x7: {  	_ = 	snop  }
__scs_overlays_trampoline_lowered:
0x8: {  	[smem:$0x3FAE] =	sst s0  }
0x9: {  	[smem:$0x3FAF] =	sst s1  }
0xa: {  	[smem:$0x3FB0] =	sst s2  }
0xb: {  	[smem:$0x3FB1] =	sst s3  }
0xc: {  	[smem:$0x3FB2] =	sst s4  }
0xd: {  	[smem:$0x3FB3] =	sst s5  }
0xe: {  	[smem:$0x3FB4] =	sst s6  }
0xf: {  	[smem:$0x3FB5] =	sst s7  }
0x10: {  	[smem:$0x3FB6] =	sst s8  }
0x11: {  	[smem:$0x3FB7] =	sst s9;
	s0 =	simm.s32 @!p0 $0x0  }
0x12: {  	s1 =	sld [smem:$0x3F9D];
	s0 =	simm.s32 @p0 $0x1  }
0x13: {  	[smem:$0x3FB8] =	sst s0;
	s0 =	simm.s32 @!p1 $0x0  }
0x14: {  	s2 =	sld [smem:$0x3F9C];
	s0 =	simm.s32 @p1 $0x1  }
0x15: {  	[smem:$0x3FB9] =	sst s0;
	s0 =	simm.s32 @!p2 $0x0  }
0x16: {  	s3 =	sld [smem:$0x3FDB];
	s0 =	simm.s32 @p2 $0x1  }
0x17: {  	s4 =	simm.s32 $0x1BF5;
	[smem:$0x3FBB] =	sst s0  }
0x18: {  	s0 =	sld [smem:$0x3F9E];
	_ =	swait.ge [sflag:s4], $0x0  }
0x19: {  	s7 =	sld [smem:$0x3F9F]  }
0x1a: {  	s8 =	sadd.s32 $0xFFFFE003, lr  }
0x1b: {  	s9 =	sadd.s32 $0xFFFFFEF7, lr;
	s5 =	simm.s32 $0xFFFFFFFF;
	p2 =	slt.u32 s8, $0xFFFFF086  }
0x1c: {  	p1 =	slt.u32 s9, $0xF7A;
	s5 =	simm.s32 @!p2 $0x0  }
0x1d: {  	s5 =	simm.s32 @p1 $0x1;
	p0 =	seq.s32 s7, s2  }
0x1e: {  	s7 =	smul.u32 @!p0 $0xF7A, s2;
	p2 =	seq.s32 @!p0 s5, $0x0  }
0x1f: {  	s9 =	smul.u32 $0xF7A, s1;
	s8 =	simm.s32 @!p0 $0x1BF5;
	p2 =	por !p2, p0  }
0x20: {  	[sflag:s8] =	ssyncset.s32 @!p0 $0xFFFFF086;
	s6 =	sadd.s32 @!p0 s3, s7;
	s7 =	simm.s32 @!p0 $0x108  }
0x21: {  	s3 =	sadd.s32 s3, s9;
	s6 =	sadd.s32 @!p0 $0x88, s6;
	s7 =	simm.s32 @p2 $0x1082  }
0x22: {  	[simem:s7], [sflag:s8] =	dma.local @!p0 [hbm:s6], $0xF7A  }
0x23: {  	s9 =	sor.u32 $0xD0000000, s2;
	s6 =	simm.s32 $0x108;
	_ =	swait.ge @!p0 [sflag:s8], $0x0  }
0x24: {  	s3 =	sadd.s32 $0x88, s3;
	s6 =	simm.s32 @!p1 $0x1082;
	[sflag:s4] =	ssyncset.s32 $0xFFFFF086  }
0x25: {  	[simem:s6], [sflag:s4] =	dma.local [hbm:s3], $0xF7A  }
0x26: {  	[smem:$0x3F9F] =	sst s1;
	(tag) =	ssettag s2;
	_ =	strace s9  }
0x27: {  	s1 =	sld [smem:$0x3FAF]  }
0x28: {  	s2 =	sld [smem:$0x3FB0]  }
0x29: {  	s4 =	sld [smem:$0x3FB2]  }
0x2a: {  	p0 =	seq.s32 s5, $0x0;
	s5 =	sld [smem:$0x3FB3]  }
0x2b: {  	s6 =	sld [smem:$0x3FB4]  }
0x2c: {  	s7 =	sld [smem:$0x3FB5]  }
0x2d: {  	s3 =	simm.s32 $0x108;
	s8 =	sld [smem:$0x3FB6]  }
0x2e: {  	s3 =	simm.s32 @!p0 $0x1082;
	s9 =	sld [smem:$0x3FB7]  }
0x2f: {  	lr =	sadd.s32 s0, s3;
	s0 =	sld [smem:$0x3FAE]  }
0x30: {  	s3 =	sld [smem:$0x3FB1]  }
0x31: {  	[smem:$0x3FBA] =	sst s10  }
0x32: {  	s10 =	sld [smem:$0x3FB8];
	_ =	sdelay $0x3  }
0x33: {  	p0 =	seq.s32 s10, $0x1;
	s10 =	sld [smem:$0x3FBA];
	_ =	sdelay $0x3  }
0x34: {  	[smem:$0x3FBA] =	sst s10  }
0x35: {  	s10 =	sld [smem:$0x3FB9];
	_ =	sdelay $0x3  }
0x36: {  	p1 =	seq.s32 s10, $0x1;
	s10 =	sld [smem:$0x3FBA];
	_ =	sdelay $0x3  }
0x37: {  	[smem:$0x3FBA] =	sst s10  }
0x38: {  	s10 =	sld [smem:$0x3FBB]  }
0x39: {  	_ = 	snop;
	(pc) =	sbr.ind lr, $3  }
0x3a: {  	_ = 	snop  }
0x3b: {  	_ = 	snop  }
0x3c: {  	p2 =	seq.s32 s10, $0x1;
	s10 =	sld [smem:$0x3FBA]  }
0x3d: {  	_ =	shalt  }
0x3e: {  	_ =	shalt  }
0x3f: {  	_ =	shalt  }
0x40: {  	_ =	shalt  }
0x41: {  	_ =	shalt  }
0x42: {  	_ =	shalt  }
0x43: {  	_ =	shalt  }
0x44: {  	_ =	shalt  }
0x45: {  	_ =	shalt  }
0x46: {  	_ =	shalt  }
0x47: {  	_ =	shalt  }
0x48: {  	_ =	shalt  }
0x49: {  	_ =	shalt  }
0x4a: {  	_ =	shalt  }
0x4b: {  	_ =	shalt  }
0x4c: {  	_ =	shalt  }
0x4d: {  	_ =	shalt  }
0x4e: {  	_ =	shalt  }
0x4f: {  	_ =	shalt  }
0x50: {  	_ =	shalt  }
0x51: {  	_ =	shalt  }
0x52: {  	_ =	shalt  }
0x53: {  	_ =	shalt  }
0x54: {  	_ =	shalt  }
0x55: {  	_ =	shalt  }
0x56: {  	_ =	shalt  }
0x57: {  	_ =	shalt  }
0x58: {  	_ =	shalt  }
0x59: {  	_ =	shalt  }
0x5a: {  	_ =	shalt  }
0x5b: {  	_ =	shalt  }
0x5c: {  	_ =	shalt  }
0x5d: {  	_ =	shalt  }
0x5e: {  	_ =	shalt  }
0x5f: {  	_ =	shalt  }
0x60: {  	_ =	shalt  }
0x61: {  	_ =	shalt  }
0x62: {  	_ =	shalt  }
0x63: {  	_ =	shalt  }
0x64: {  	_ =	shalt  }
0x65: {  	_ =	shalt  }
0x66: {  	_ =	shalt  }
0x67: {  	_ =	shalt  }
0x68: {  	_ =	shalt  }
0x69: {  	_ =	shalt  }
0x6a: {  	_ =	shalt  }
0x6b: {  	_ =	shalt  }
0x6c: {  	_ =	shalt  }
0x6d: {  	_ =	shalt  }
0x6e: {  	_ =	shalt  }
0x6f: {  	_ =	shalt  }
0x70: {  	_ =	shalt  }
0x71: {  	_ =	shalt  }
0x72: {  	_ =	shalt  }
0x73: {  	_ =	shalt  }
0x74: {  	_ =	shalt  }
0x75: {  	_ =	shalt  }
0x76: {  	_ =	shalt  }
0x77: {  	_ =	shalt  }
0x78: {  	_ =	shalt  }
0x79: {  	_ =	shalt  }
0x7a: {  	_ =	shalt  }
0x7b: {  	_ =	shalt  }
0x7c: {  	_ =	shalt  }
0x7d: {  	_ =	shalt  }
0x7e: {  	_ =	shalt  }
0x7f: {  	_ =	shalt  }
0x80: {  	_ =	shalt  }
0x81: {  	_ =	shalt  }
0x82: {  	_ =	shalt  }
0x83: {  	_ =	shalt  }
0x84: {  	_ =	shalt  }
0x85: {  	_ =	shalt  }
0x86: {  	_ =	shalt  }
0x87: {  	_ =	shalt  }
.Lfunc_end0:
.L_simem_size_0:
called_computation_lowered:
.L_overlay_start_0:
0x88: {  	s2 =	sld [smem:$0x3FD9]  }
0x89: {  	s3 =	sld [smem:$0x3FFE];
	_ =	sdelay $0x1  }
0x8a: {  	s1 =	srdreg.scid  }
0x8b: {  	s0 =	sand.u32 $0x1, s1  }
0x8c: {  	s17 =	sshll.u32 s0, $0xA;
	s2 =	sadd.s32 s3, s2  }
0x8d: {  	s2 =	sadd.s32 s2, s17  }
0x8e: {  	[smem:$0x3FC6] =	sst s2  }
0x8f: {  	_ = 	snop  }
0x90: {  	s2 =	sld [smem:$0x3FD0];
	(tm) =	ssettm $0x1  }
0x91: {  	s18 =	sld [smem:$0x3FFB];
	_ =	sdelay $0x3  }
0x92: {  	_ =	strace s18  }
0x93: {  	s3 =	sld [smem:$0x3FFC];
	_ =	sdelay $0x3  }
0x94: {  	_ =	strace s3  }
0x95: {  	s3 =	sld [smem:$0x3FFD];
	_ =	sdelay $0x3  }
0x96: {  	_ =	strace s3  }
0x97: {  	_ =	strace $0x8FFFFFFF  }
0x98: {  	s19 =	sld [smem:$0x3FDB];
	_ =	sdelay $0x1  }
0x99: {  	s4 =	simm.s32 $_scs_section_size  }
0x9a: {  	s5 =	simm.s32 $_size__tile_overlayer_lowered;
	s6 =	simm.s32 $_tile_overlayer_lowered  }
0x9b: {  	s22 =	simm.s32 $0x1BFF;
	s21 =	sshll.u32 s6, $0x1;
	s3 =	sadd.s32 s4, s19  }
0x9c: {  	s7 =	simm.s32 $0x0;
	s20 =	sshll.u32 s5, $0x1;
	s5 =	sadd.s32 s21, s3  }
0x9d: {  	[timem:s7], [sflag:s22] =	dma.local [hbm:s5], s20  }
0x9e: {  	_ =	swait.ge [sflag:s22], s20  }
0x9f: {  	s4 =	ssub.s32 $0x0, s20;
	[sflag:s22] =	ssyncset.done $0x0  }
0xa0: {  	[sflag:s22] =	ssyncadd.s32 s4;
	_ =	sdelay $0x1  }
0xa1: {  	s23 =	simm.s32 $0x1B8B  }
0xa2: {  	_ =	swait.ge [sflag:s23], $0x1  }
0xa3: {  	[sflag:s23] =	ssyncset.done $0x0  }
0xa4: {  	s25 =	simm.s32 $0x1B8E;
	s24 =	sld [smem:$0x3FFE];
	[sflag:s23] =	ssyncadd.s32 $0xFFFFFFFF  }
0xa5: {  	s26 =	simm.s32 $execute0_lowered;
	[smem:$0x3FD2] =	sst s25  }
0xa6: {  	s5 =	sshll.u32 s26, $0x1;
	_ =	strace $0x80000046;
	[dreg:$0x1] =	wrdreg $0xFFFFFFFF  }
0xa7: {  	s28 =	simm.s32 $_size_execute0_lowered;
	s3 =	sadd.s32 s3, s5;
	[dreg:$0x0] =	wrdreg $0x0  }
0xa8: {  	s5 =	sshll.u32 s28, $0x1;
	[dreg:$0x2] =	wrdreg s3  }
0xa9: {  	[dreg:$0x3] =	wrdreg s5  }
0xaa: {  	[dreg:$0x4] =	wrdreg $0xC0  }
0xab: {  	_ =	task [dreg:s7], $0x5FFFF  }
0xac: {  	[dreg:$0x1] =	wrdreg $0xFFFFFFFF  }
0xad: {  	[dreg:$0x0] =	wrdreg $0x60  }
0xae: {  	[dreg:$0x2] =	wrdreg s2  }
0xaf: {  	[dreg:$0x3] =	wrdreg s24  }
0xb0: {  	[dreg:$0x4] =	wrdreg $0x9  }
0xb1: {  	_ =	task.clear_ibuf [dreg:s7], $0x5FFFF;
	_ =	strace $0x90000046  }
0xb2: {  	s29 =	simm.s32 $0x9;
	_ =	strace $0x80000048  }
0xb3: {  	_ =	swait.ge [sflag:s29], $0x1  }
0xb4: {  	[sflag:s29] =	ssyncadd.s32 $0xFFFFFFFF  }
0xb5: {  	_ =	strace $0x90000048  }
0xb6: {  	_ =	sfence  }
0xb7: {  	s30 =	sld [smem:$0x0];
	_ =	sdelay $0x2  }
0xb8: {  	s31 =	sshll.u32 s1, $0xD;
	s1 =	sshrl.u32 s1, $0x2  }
0xb9: {  	s3 =	sand.u32 $0x4000, s31;
	s1 =	sadd.s32 s1, s30  }
0xba: {  	s0 =	sor.u32 s3, s0;
	s1 =	sshll.u32 s1, $0x11  }
0xbb: {  	s0 =	sor.u32 s1, s0  }
0xbc: {  	s0 =	sadd.s32 $0x8F2B, s0  }
0xbd: {  	[sflag:s0] =	ssyncadd.remote.s32 $0x1  }
0xbe: {  	_ =	sfence.sel $0xFFFF  }
0xbf: {  	[dreg:$0x0] =	wrdreg $0xFFFFFFFF;
	(pc) =	sbr.abs _section_cstart, $3  }
0xc0: {  	[dreg:$0x1] =	wrdreg $0xFFFFFFFF  }
0xc1: {  	_ =	task.clear_ibuf [dreg:s7], $0x2FFFF;
	_ =	strace $0x9FFFFFFF  }
0xc2: {  	(tm) =	ssettm $0x7FFFFFFF  }
0xc3: {  	_ =	shalt  }
tec
execute0_lowered:
.L_overlay_start_1:
0x0: {  	(tag) =	ssettag $0x1  }
0x1: {  	s1 =	rddreg [dreg:$0x0]  }
0x2: {  	s10 =	rddreg [dreg:$0x1]  }
0x3: {  	s0 =	rddreg [dreg:$0x2]  }
0x4: {  	s2 =	simm.s32 $0x0;
	s3 =	srdreg.scid;
	s13 =	simm.s32 $0x1  }
0x5: {  	s14 =	simm.s32 $0xC80;
	s15 =	simm.s32 $0x1300;
	s16 =	simm.s32 $0x1380  }
0x6: {  	s17 =	simm.s32 $0x1400;
	s18 =	simm.s32 $0x0;
	[smem:$0x7FF] =	sst s2  }
.Ltmp0:
0x7: {  	s4 =	sand.u32 $0x1, s3;
	s5 =	sadd.s32 $0x800, s10;
	(pc) =	sbr.rel .LBB2_1-.Ltmp0, $4  }
0x8: {  	s3 =	stileid.u32;
	s6 =	sadd.s32 $0x400, s10;
	s9 =	ssub.s32 $0x2, s4  }
0x9: {  	s8 =	sadd.s32 $0x600, s10;
	s7 =	sshll.u32 s3, $0x1;
	s11 =	sshrl.u32 s9, $0x1  }
0xa: {  	s10 =	sadd.s32 $0xA00, s10;
	s11 =	ssub.s32 s9, s11;
	s9 =	sor.u32 s4, s7  }
0xb: {  	_ =	strace $0x80000047;
	s11 =	smax.u32 s11, $0x1;
	s12 =	sor.u32 $0xFFFFFF80, s9  }
.LBB2_10:
0xc: {  	s18 =	sadd.s32 $0x1, s18  }
0xd: {  	p0 =	sne.s32 s18, s11  }
.Ltmp1:
0xe: {  	_ = 	snop;
	(pc) =	sbr.rel @!p0 .LBB2_11-.Ltmp1, $1  }
0xf: {  	_ =	sdelay $0x3  }
.LBB2_1:
0x10: {  	[tilespmem:s2], [sflag:$0x1] =	stream.linear.gather [hbm4b:s1+s2], $0xC80, $0x38;
	[tilespmem:$0x7C00] =	vst v63  }
0x11: {  	_ =	swait.ge [sflag:s13], $0xC80  }
0x12: {  	[sflag:s13] =	ssyncset.done $0x0  }
0x13: {  	[sflag:s13] =	ssyncadd.s32 $0xFFFFF380  }
0x14: {  	[tilespmem:s14], [sflag:$0x1] =	stream.linear.gather [hbm4b:s5+s2], $0x680, $0x38;
	[tilespmem:$0x7C00] =	vst v63  }
0x15: {  	_ =	swait.ge [sflag:s13], $0x680  }
0x16: {  	[sflag:s13] =	ssyncset.done $0x0  }
0x17: {  	[sflag:s13] =	ssyncadd.s32 $0xFFFFF980  }
0x18: {  	[tilespmem:s15], [sflag:$0x1] =	stream.linear.gather [hbm4b:s6+s2], $0x80, $0x38;
	[tilespmem:$0x7C00] =	vst v63  }
0x19: {  	_ =	swait.ge [sflag:s13], $0x80  }
0x1a: {  	[sflag:s13] =	ssyncset.done $0x0  }
.Ltmp2:
0x1b: {  	[sflag:s13] =	ssyncadd.s32 $0xFFFFFF80;
	(pc) =	sbr.rel .LBB2_2-.Ltmp2, $4  }
0x1c: {  	[tilespmem:s16], [sflag:$0x1] =	stream.linear.gather [hbm4b:s8+s2], $0x80, $0x38;
	[tilespmem:$0x7C00] =	vst v63  }
0x1d: {  	_ =	swait.ge [sflag:s13], $0x80  }
0x1e: {  	s19 =	smov.u32 s9;
	[sflag:s13] =	ssyncset.done $0x0  }
0x1f: {  	s20 =	smov.u32 s12;
	s21 =	simm.s32 $0x0;
	[sflag:s13] =	ssyncadd.s32 $0xFFFFFF80  }
.LBB2_5:
0x20: {  	_ = 	snop  }
0x21: {  	[tilespmem:s26+$0x1800] =	vst v0  }
0x22: {  	[tilespmem:s26+$0x1810] =	vst v0  }
0x23: {  	[tilespmem:s26+$0x1820] =	vst v0  }
0x24: {  	v0 =	vld.idx.msk [tilespmem:v1+s14+$0x0], $0xffff;
	_ =	sdelay $0x1  }
0x25: {  	s24 =	sadd.s32 $0x100, s24  }
0x26: {  	s25 =	sand.u32 $0x380, s25;
	s24 =	sand.u32 $0x7800, s24  }
0x27: {  	s24 =	sor.u32 s25, s24  }
0x28: {  	[tilespmem:s24+$0x1830] =	vst v0  }
0x29: {  	[tilespmem:s24+$0x1400] =	vst v0  }
0x2a: {  	[tilespmem:s24+$0x1410] =	vst v0  }
0x2b: {  	[tilespmem:s24+$0x1420] =	vst v0  }
0x2c: {  	[tilespmem:s24+$0x1430] =	vst v0  }
0x2d: {  	[tilespmem:s24+$0x1440] =	vst v0  }
0x2e: {  	[tilespmem:s24+$0x1450] =	vst v0  }
0x2f: {  	[tilespmem:s24+$0x1460] =	vst v0  }
0x30: {  	[tilespmem:s24+$0x1470] =	vst v0  }
0x31: {  	[tilespmem:s24+$0x1800] =	vst v0  }
0x32: {  	[tilespmem:s24+$0x1810] =	vst v0  }
0x33: {  	[tilespmem:s24+$0x1820] =	vst v0  }
0x34: {  	[tilespmem:s24+$0x1838] =	vst v0  }
.LBB2_9:
0x35: {  	s23 =	smul.u32 $0x3A8000, s23  }
0x36: {  	s22 =	smul.u32 $0x6800, s22;
	_ =	sdelay $0x1  }
0x37: {  	s21 =	sadd.s32 $0x1, s21;
	s22 =	sadd.s32 s23, s22  }
0x38: {  	p0 =	sne.s32 s21, $0x48;
	s22 =	sshrl.u32 s22, $0x3  }
.Ltmp3:
0x39: {  	s22 =	sadd.s32 s10, s22;
	(pc) =	sbr.rel @!p0 .LBB2_10-.Ltmp3, $4  }
0x3a: {  	[hbm4b:s22+s2] =	stream.linear.scatter [tilespmem:s17], [sflag:$0x1], $0x6800, $0x38;
	[tilespmem:$0x7C00] =	vst v63  }
0x3b: {  	_ =	swait.ge [sflag:s13], $0x6800  }
0x3c: {  	[sflag:s13] =	ssyncset.done $0x0  }
0x3d: {  	s20 =	sadd.s32 $0x20, s20;
	s19 =	sadd.s32 $0x20, s19;
	[sflag:s13] =	ssyncadd.s32 $0xFFFF9800  }
.LBB2_2:
0x3e: {  	s22 =	sshll.u32 s21, $0x5  }
0x3f: {  	s22 =	sor.u32 s7, s22  }
0x40: {  	s23 =	sor.u32 s4, s22  }
0x41: {  	s24 =	smulhi.u32 $0x38E38E39, s23;
	_ =	sdelay $0x1  }
0x42: {  	s24 =	sshrl.u32 s24, $0x5  }
0x43: {  	s24 =	smul.u32 $0x90, s24;
	_ =	sdelay $0x1  }
0x44: {  	s25 =	smulhi.u32 $0x38E38E39, s22;
	s22 =	ssub.s32 s23, s24  }
0x45: {  	p0 =	sgt.u32 s22, $0x7F  }
.Ltmp4:
0x46: {  	_ = 	snop;
	(pc) =	sbr.rel @p0 .LBB2_3-.Ltmp4, $2  }
0x47: {  	_ =	sdelay $0x2  }
0x48: {  	s23 =	sshrl.u32 s25, $0x5  }
0x49: {  	v0 =	vmov s22;
	_ =	sdelay $0x1  }
0x4a: {  	s24 =	smul.u32 $0xC8, s23;
	_ =	sdelay $0x1  }
0x4b: {  	v2 =	vld [tilespmem:s24+$0x0]  }
0x4c: {  	v5 =	vld.idx.msk [tilespmem:v0+s15+$0x0], $0xffff;
	_ =	sdelay $0x1  }
0x4d: {  	v1 =	vld.idx.msk [tilespmem:v0+s16+$0x0], $0xffff;
	_ =	sdelay $0x2  }
0x4e: {  	v0 =	vmul.f32 v2, v5;
	_ =	sdelay $0x1  }
0x4f: {  	v6 =	vld [tilespmem:s24+$0x20];
	v0 =	vadd.f32 v0, v1  }
0x50: {  	v8 =	vld [tilespmem:s24+$0x30]  }
0x51: {  	v9 =	vld [tilespmem:s24+$0x40];
	v3 =	vmul.f32 v0, v0  }
0x52: {  	v12 =	vld [tilespmem:s24+$0x50]  }
0x53: {  	v2 =	vld [tilespmem:s24+$0x10];
	v4 =	vmul.f32 $2.505210790e-08, v3  }
0x54: {  	v13 =	vld [tilespmem:s24+$0x60]  }
0x55: {  	v22 =	vld [tilespmem:s24+$0x70];
	s25 =	sand.u32 $0x1FF8, s24;
	v4 =	vsub.f32 $2.755731880e-06, v4  }
0x56: {  	v47 =	vld [tilespmem:s25+$0x80]  }
0x57: {  	v6 =	vmul.f32 v6, v5;
	v4 =	vmul.f32 v4, v3  }
0x58: {  	v51 =	vld [tilespmem:s24+$0xA0];
	v8 =	vmul.f32 v8, v5;
	v2 =	vmul.f32 v2, v5  }
0x59: {  	v9 =	vmul.f32 v9, v5;
	v12 =	vmul.f32 v12, v5;
	v4 =	vadd.f32 $-1.984127010e-04, v4  }
0x5a: {  	v13 =	vmul.f32 v13, v5;
	v46 =	vmul.f32 v22, v5;
	v2 =	vadd.f32 v2, v1  }
0x5b: {  	v49 =	vmul.f32 v47, v5;
	v4 =	vmul.f32 v4, v3  }
0x5c: {  	v6 =	vadd.f32 v6, v1;
	v8 =	vadd.f32 v8, v1;
	v7 =	vmul.f32 v2, v2  }
0x5d: {  	v52 =	vmul.f32 v51, v5;
	v9 =	vadd.f32 v9, v1;
	v4 =	vadd.f32 $8.333333770e-03, v4  }
0x5e: {  	v13 =	vadd.f32 v13, v1;
	v11 =	vmul.f32 v6, v6;
	v10 =	vmul.f32 $2.505210790e-08, v7  }
0x5f: {  	v23 =	vld [tilespmem:s24+$0xB0];
	v15 =	vmul.f32 v8, v8;
	v4 =	vmul.f32 v4, v3  }
0x60: {  	v16 =	vmul.f32 v9, v9;
	v19 =	vmul.f32 v13, v13;
	v10 =	vsub.f32 $2.755731880e-06, v10  }
0x61: {  	v14 =	vmul.f32 $2.505210790e-08, v11;
	v3 =	vmul.f32 v3, v0;
	v4 =	vadd.f32 $-1.666666720e-01, v4  }
0x62: {  	v12 =	vadd.f32 v12, v1;
	v17 =	vmul.f32 $2.505210790e-08, v16;
	v10 =	vmul.f32 v10, v7  }
0x63: {  	v3 =	vmul.f32 v4, v3;
	v4 =	vsub.f32 $2.755731880e-06, v14;
	v14 =	vmul.f32 $2.505210790e-08, v15  }
0x64: {  	v53 =	vmul.f32 v23, v5;
	v18 =	vmul.f32 v12, v12;
	v10 =	vadd.f32 $-1.984127010e-04, v10  }
0x65: {  	v21 =	vmul.f32 $2.505210790e-08, v19;
	v17 =	vsub.f32 $2.755731880e-06, v17;
	v14 =	vsub.f32 $2.755731880e-06, v14  }
0x66: {  	v10 =	vmul.f32 v10, v7;
	v4 =	vmul.f32 v4, v11  }
0x67: {  	v21 =	vsub.f32 $2.755731880e-06, v21;
	v17 =	vmul.f32 v17, v16;
	v14 =	vmul.f32 v14, v15  }
0x68: {  	v20 =	vmul.f32 $2.505210790e-08, v18;
	v10 =	vadd.f32 $8.333333770e-03, v10;
	v4 =	vadd.f32 $-1.984127010e-04, v4  }
0x69: {  	v45 =	vmul.f32 v21, v19;
	v17 =	vadd.f32 $-1.984127010e-04, v17;
	v14 =	vadd.f32 $-1.984127010e-04, v14  }
0x6a: {  	v20 =	vsub.f32 $2.755731880e-06, v20;
	v10 =	vmul.f32 v10, v7;
	v4 =	vmul.f32 v4, v11  }
0x6b: {  	v21 =	vadd.f32 v46, v1;
	v17 =	vmul.f32 v17, v16;
	v14 =	vmul.f32 v14, v15  }
0x6c: {  	v7 =	vmul.f32 v7, v2;
	v10 =	vadd.f32 $-1.666666720e-01, v10;
	v4 =	vadd.f32 $8.333333770e-03, v4  }
0x6d: {  	v44 =	vmul.f32 v20, v18;
	v20 =	vadd.f32 $-1.984127010e-04, v45;
	v14 =	vadd.f32 $8.333333770e-03, v14  }
0x6e: {  	v7 =	vmul.f32 v10, v7;
	v10 =	vadd.f32 $8.333333770e-03, v17;
	v4 =	vmul.f32 v4, v11  }
0x6f: {  	v20 =	vmul.f32 v20, v19;
	v17 =	vadd.f32 $-1.984127010e-04, v44;
	v14 =	vmul.f32 v14, v15  }
0x70: {  	v10 =	vmul.f32 v10, v16;
	v11 =	vmul.f32 v11, v6;
	v4 =	vadd.f32 $-1.666666720e-01, v4  }
0x71: {  	v17 =	vmul.f32 v17, v18;
	v15 =	vmul.f32 v15, v8;
	v14 =	vadd.f32 $-1.666666720e-01, v14  }
0x72: {  	v16 =	vmul.f32 v16, v9;
	v10 =	vadd.f32 $-1.666666720e-01, v10;
	v4 =	vmul.f32 v4, v11  }
0x73: {  	v50 =	vld [tilespmem:s24+$0x90];
	v11 =	vmul.f32 v14, v15;
	v14 =	vadd.f32 $8.333333770e-03, v17;
	v15 =	vadd.f32 $8.333333770e-03, v20  }
0x74: {  	v25 =	vld [tilespmem:s24+$0xB8];
	v48 =	vmul.f32 v21, v21;
	v10 =	vmul.f32 v10, v16  }
0x75: {  	v0 =	vadd.f32 v3, v0;
	v14 =	vmul.f32 v14, v18;
	v3 =	vmul.f32 v15, v19  }
0x76: {  	v16 =	vmul.f32 v48, v21;
	v17 =	vadd.f32 v49, v1;
	v15 =	vmul.f32 $2.505210790e-08, v48  }
0x77: {  	v18 =	vmul.f32 v18, v12;
	v14 =	vadd.f32 $-1.666666720e-01, v14;
	v24 =	vadd.f32 $-1.666666720e-01, v3  }
0x78: {  	v19 =	vmul.f32 v19, v13;
	v15 =	vsub.f32 $2.755731880e-06, v15;
	v3 =	vadd.f32 v4, v6  }
0x79: {  	v4 =	vadd.f32 v11, v8;
	v11 =	vmul.f32 v50, v5;
	v5 =	vmul.f32 v25, v5  }
0x7a: {  	v2 =	vadd.f32 v7, v2;
	v7 =	vmul.f32 v14, v18;
	v14 =	vmul.f32 v17, v17  }
0x7b: {  	v6 =	vmul.f32 v24, v19;
	v15 =	vmul.f32 v15, v48;
	v11 =	vadd.f32 v11, v1  }
0x7c: {  	v18 =	vadd.f32 v52, v1;
	v19 =	vadd.f32 v53, v1;
	v8 =	vmul.f32 $2.505210790e-08, v14  }
0x7d: {  	v55 =	vadd.f32 v5, v1;
	v1 =	vadd.f32 v10, v9;
	v54 =	vmul.f32 v11, v11  }
0x7e: {  	v9 =	vmul.f32 v18, v18;
	v10 =	vmul.f32 v19, v19;
	v8 =	vsub.f32 $2.755731880e-06, v8  }
0x7f: {  	v5 =	vadd.f32 v7, v12;
	v12 =	vmul.f32 v55, v55;
	v7 =	vmul.f32 $2.505210790e-08, v54  }
0x80: {  	v15 =	vadd.f32 $-1.984127010e-04, v15;
	v56 =	vmul.f32 $2.505210790e-08, v9;
	v8 =	vmul.f32 v8, v14  }
0x81: {  	v57 =	vmul.f32 $2.505210790e-08, v10;
	v58 =	vmul.f32 $2.505210790e-08, v12;
	v7 =	vsub.f32 $2.755731880e-06, v7  }
0x82: {  	v15 =	vmul.f32 v15, v48;
	v23 =	vsub.f32 $2.755731880e-06, v56;
	v8 =	vadd.f32 $-1.984127010e-04, v8  }
0x83: {  	v24 =	vsub.f32 $2.755731880e-06, v57;
	v25 =	vsub.f32 $2.755731880e-06, v58;
	v7 =	vmul.f32 v7, v54  }
0x84: {  	v15 =	vadd.f32 $8.333333770e-03, v15;
	v23 =	vmul.f32 v23, v9;
	v8 =	vmul.f32 v8, v14  }
0x85: {  	v24 =	vmul.f32 v24, v10;
	v25 =	vmul.f32 v25, v12;
	v7 =	vadd.f32 $-1.984127010e-04, v7  }
0x86: {  	v15 =	vmul.f32 v15, v48;
	v23 =	vadd.f32 $-1.984127010e-04, v23;
	v8 =	vadd.f32 $8.333333770e-03, v8  }
0x87: {  	v24 =	vadd.f32 $-1.984127010e-04, v24;
	v25 =	vadd.f32 $-1.984127010e-04, v25;
	v7 =	vmul.f32 v7, v54  }
0x88: {  	v23 =	vmul.f32 v23, v9;
	v8 =	vmul.f32 v8, v14  }
0x89: {  	v15 =	vadd.f32 $-1.666666720e-01, v15;
	v24 =	vmul.f32 v24, v10;
	v25 =	vmul.f32 v25, v12  }
0x8a: {  	v14 =	vmul.f32 v14, v17;
	v7 =	vadd.f32 $8.333333770e-03, v7;
	v8 =	vadd.f32 $-1.666666720e-01, v8  }
0x8b: {  	v20 =	vmul.f32 v54, v11;
	v59 =	vadd.f32 $8.333333770e-03, v23;
	v60 =	vadd.f32 $8.333333770e-03, v24  }
0x8c: {  	v7 =	vmul.f32 v7, v54;
	v8 =	vmul.f32 v8, v14;
	v14 =	vadd.f32 $8.333333770e-03, v25  }
0x8d: {  	v6 =	vadd.f32 v6, v13;
	v15 =	vmul.f32 v15, v16;
	v61 =	vmul.f32 v60, v10  }
0x8e: {  	v13 =	vmul.f32 v59, v9;
	v62 =	vadd.f32 $-1.666666720e-01, v7;
	v7 =	vmul.f32 v14, v12  }
0x8f: {  	v9 =	vmul.f32 v9, v18;
	v10 =	vmul.f32 v10, v19;
	v14 =	vadd.f32 $-1.666666720e-01, v61  }
0x90: {  	v13 =	vadd.f32 $-1.666666720e-01, v13;
	v12 =	vmul.f32 v12, v55;
	v63 =	vadd.f32 $-1.666666720e-01, v7  }
0x91: {  	v7 =	vadd.f32 v15, v21;
	v15 =	vmul.f32 v62, v20;
	v14 =	vmul.f32 v14, v10  }
0x92: {  	s25 =	simm.s32 $0x0;
	v13 =	vmul.f32 v13, v9;
	v8 =	vadd.f32 v8, v17;
	v12 =	vmul.f32 v63, v12  }
0x93: {  	s31 =	sand.u32 $0x7800, s25;
	s26 =	sand.u32 $0x380, s25;
	v9 =	vadd.f32 v15, v11;
	v11 =	vadd.f32 v14, v19  }
0x94: {  	s24 =	sor.u32 s26, s31;
	s26 =	simm.s32 $0x100;
	v10 =	vadd.f32 v13, v18;
	v12 =	vadd.f32 v12, v55  }
.LBB2_7:
0x95: {  	p0 =	seq.s32 s26, $0x6300;
	[tilespmem:s24+$0x1830] =	vst v11  }
0x96: {  	[tilespmem:s24+$0x1838] =	vst v12  }
0x97: {  	[tilespmem:s24+$0x1400] =	vst v0  }
0x98: {  	[tilespmem:s24+$0x1410] =	vst v2  }
0x99: {  	[tilespmem:s24+$0x1420] =	vst v3  }
0x9a: {  	[tilespmem:s24+$0x1430] =	vst v4  }
0x9b: {  	[tilespmem:s24+$0x1440] =	vst v1  }
0x9c: {  	[tilespmem:s24+$0x1450] =	vst v5  }
.Ltmp5:
0x9d: {  	[tilespmem:s24+$0x1460] =	vst v6;
	(pc) =	sbr.rel @!p0 .LBB2_7-.Ltmp5, $4  }
0x9e: {  	[tilespmem:s24+$0x1470] =	vst v7  }
0x9f: {  	s25 =	sadd.s32 $0x80, s25;
	[tilespmem:s24+$0x1800] =	vst v8  }
0xa0: {  	s28 =	sand.u32 $0x7800, s26;
	s29 =	sand.u32 $0x380, s25;
	[tilespmem:s24+$0x1810] =	vst v9  }
0xa1: {  	s26 =	sadd.s32 $0x100, s26;
	[tilespmem:s24+$0x1820] =	vst v10;
	s24 =	sor.u32 s29, s28  }
0xa2: {  	[tilespmem:s24+$0x1830] =	vst v11  }
0xa3: {  	[tilespmem:s24+$0x1400] =	vst v0  }
0xa4: {  	[tilespmem:s24+$0x1410] =	vst v2  }
0xa5: {  	[tilespmem:s24+$0x1420] =	vst v3  }
0xa6: {  	[tilespmem:s24+$0x1430] =	vst v4  }
0xa7: {  	[tilespmem:s24+$0x1440] =	vst v1  }
0xa8: {  	[tilespmem:s24+$0x1450] =	vst v5  }
0xa9: {  	[tilespmem:s24+$0x1460] =	vst v6  }
.Ltmp6:
0xaa: {  	[tilespmem:s24+$0x1470] =	vst v7;
	(pc) =	sbr.rel .LBB2_9-.Ltmp6, $4  }
0xab: {  	[tilespmem:s24+$0x1800] =	vst v8  }
0xac: {  	[tilespmem:s24+$0x1810] =	vst v9  }
0xad: {  	[tilespmem:s24+$0x1820] =	vst v10  }
0xae: {  	[tilespmem:s24+$0x1838] =	vst v12  }
.LBB2_3:
0xaf: {  	s24 =	smulhi.u32 $0x38E38E39, s19;
	_ =	sdelay $0x1  }
0xb0: {  	s24 =	sshrl.u32 s24, $0x5  }
0xb1: {  	s24 =	smul.u32 $0x90, s24;
	_ =	sdelay $0x1  }
0xb2: {  	s25 =	ssub.s32 s20, s24  }
0xb3: {  	v0 =	vmov s25;
	_ =	sdelay $0x4  }
0xb4: {  	v0 =	vld.idx.msk [tilespmem:v0+s14+$0x0], $0xffff;
	_ =	sdelay $0x1  }
0xb5: {  	s24 =	simm.s32 $0x0  }
0xb6: {  	s26 =	sand.u32 $0x7800, s24;
	s28 =	sand.u32 $0x380, s24  }
0xb7: {  	s26 =	sor.u32 s28, s26  }
0xb8: {  	[tilespmem:s26+$0x1830] =	vst v0  }
0xb9: {  	[tilespmem:s26+$0x1400] =	vst v0  }
0xba: {  	[tilespmem:s26+$0x1410] =	vst v0  }
0xbb: {  	[tilespmem:s26+$0x1420] =	vst v0  }
0xbc: {  	[tilespmem:s26+$0x1430] =	vst v0  }
0xbd: {  	[tilespmem:s26+$0x1440] =	vst v0  }
0xbe: {  	[tilespmem:s26+$0x1450] =	vst v0  }
0xbf: {  	s28 =	sadd.s32 $0x10, s25;
	[tilespmem:s26+$0x1460] =	vst v0  }
0xc0: {  	v1 =	vmov s28;
	[tilespmem:s26+$0x1470] =	vst v0  }
0xc1: {  	s29 =	simm.s32 $0x100;
	s25 =	simm.s32 $0x80;
	[tilespmem:s26+$0x1838] =	vst v0  }
.LBB2_4:
0xc2: {  	p0 =	sne.s32 s29, $0x3180;
	[tilespmem:s26+$0x1800] =	vst v0  }
0xc3: {  	[tilespmem:s26+$0x1810] =	vst v0  }
0xc4: {  	[tilespmem:s26+$0x1820] =	vst v0  }
0xc5: {  	v0 =	vld.idx.msk [tilespmem:v1+s14+$0x0], $0xffff;
	_ =	sdelay $0x2  }
0xc6: {  	s24 =	sadd.s32 $0x100, s24  }
0xc7: {  	s30 =	sand.u32 $0x380, s25;
	s25 =	smov.u32 s29;
	s26 =	sand.u32 $0x7800, s24  }
0xc8: {  	s26 =	sor.u32 s30, s26  }
0xc9: {  	[tilespmem:s26+$0x1830] =	vst v0  }
0xca: {  	[tilespmem:s26+$0x1838] =	vst v0  }
0xcb: {  	[tilespmem:s26+$0x1400] =	vst v0  }
0xcc: {  	[tilespmem:s26+$0x1410] =	vst v0  }
0xcd: {  	[tilespmem:s26+$0x1420] =	vst v0  }
.Ltmp7:
0xce: {  	[tilespmem:s26+$0x1430] =	vst v0;
	(pc) =	sbr.rel @p0 .LBB2_4-.Ltmp7, $4  }
0xcf: {  	[tilespmem:s26+$0x1440] =	vst v0  }
0xd0: {  	s28 =	sadd.s32 $0x10, s28;
	[tilespmem:s26+$0x1450] =	vst v0  }
0xd1: {  	v1 =	vmov s28;
	[tilespmem:s26+$0x1460] =	vst v0  }
0xd2: {  	s29 =	sadd.s32 $0x80, s29;
	[tilespmem:s26+$0x1470] =	vst v0  }
.Ltmp8:
0xd3: {  	_ = 	snop;
	(pc) =	sbr.rel .LBB2_5-.Ltmp8, $1  }
0xd4: {  	_ =	sdelay $0x3  }
.LBB2_11:
0xd5: {  	_ =	sfence.sel $0x180000  }
0xd6: {  	[bflag:$0x0] =	sbarrier.arrive $0xFFFF  }
0xd7: {  	p0 =	sne.s32 s3, $0x0;
	_ =	strace $0x90000047  }
0xd8: {  	s0 =	sadd.s32 @!p0 $0x100000, s0;
	[bflag:$0x2] =	sbarrier.arrive $0xFFFF  }
0xd9: {  	[sflag:s0] =	ssyncadd.tile.s32 @!p0 $0x1;
	_ =	shalt  }
.Lfunc_end2:
_tile_overlayer_lowered:
.L_overlay_start_2:
0xda: {  	(tag) =	ssettag $0x2  }
0xdb: {  	s0 =	rddreg [dreg:$0x0];
	s2 =	stileid.u32  }
0xdc: {  	s1 =	rddreg [dreg:$0x1];
	p0 =	sne.s32 s2, $0x0  }
0xdd: {  	s3 =	rddreg [dreg:$0x2];
	[bflag:$0x3] =	sbarrier.arrive $0xFFFF;
	s2 =	simm.s32 @!p0 $0x1C01  }
0xde: {  	[timem:s3], [sflag:s2] =	dma.local @!p0 [hbm:s0], s1  }
0xdf: {  	s0 =	simm.s32 @!p0 $0x1  }
0xe0: {  	_ =	swait.ge @!p0 [sflag:s0], s1  }
0xe1: {  	s1 =	ssub.s32 @!p0 $0x0, s1;
	[sflag:s0] =	ssyncset.done @!p0 $0x0  }
0xe2: {  	[sflag:s0] =	ssyncadd.s32 @!p0 s1  }
0xe3: {  	[bflag:$0x3] =	sbarrier.arrive $0xFFFF  }
0xe4: {  	_ =	shalt  }

</sc_bundles>
